<compile_context>
chip_gen: v7x
topology: tpu7x:2x2x1
jax: 0.10.2.dev20260603
libtpu: 0.0.44.dev20260713+nightly
codegen_flags: <defaults>
</compile_context>

<pallas_src>
import functools

import jax
import jax.numpy as jnp
from jax import lax
from jax.experimental import pallas as pl
from jax.experimental.pallas import tpu as pltpu
from jax.experimental.pallas import tpu_sc as plsc

N_NODES = 10000
N_EDGES = 320000
D = 128

NUM_CORES = 2
NUM_SUBCORES = 16
NUM_WORKERS = NUM_CORES * NUM_SUBCORES

CHUNK = 80
EDGES_PER_WORKER = N_EDGES // NUM_WORKERS
CHUNKS_PER_WORKER = EDGES_PER_WORKER // CHUNK
PAIRS = (CHUNKS_PER_WORKER - 1) // 2
ROWS_MAIN = 624
ROWS_TAIL = N_NODES - NUM_SUBCORES * ROWS_MAIN

_SC_MESH = plsc.VectorSubcoreMesh(core_axis_name="c", subcore_axis_name="s")


@functools.partial(
    pl.kernel,
    mesh=_SC_MESH,
    out_type=jax.ShapeDtypeStruct((NUM_CORES * N_NODES, D), jnp.float32),
    scratch_types=[
        pltpu.VMEM((CHUNKS_PER_WORKER, CHUNK), jnp.int32),
        pltpu.VMEM((CHUNK,), jnp.int32),
        pltpu.VMEM((CHUNK,), jnp.int32),
        pltpu.VMEM((CHUNK, D), jnp.float32),
        pltpu.VMEM((CHUNK, D), jnp.float32),
        pltpu.VMEM_SHARED((N_NODES, D), jnp.float32),
        pltpu.SemaphoreType.DMA,
        pltpu.SemaphoreType.DMA,
        pltpu.SemaphoreType.DMA,
        pltpu.SemaphoreType.DMA,
    ],
)
def _sc_aggregate(x_hbm, src_hbm, dst_hbm, zeros_hbm, out_hbm,
                  src_v, dst_a, dst_b, rows_a, rows_b, agg_sh,
                  sem_a, sem_b, sem_da, sem_db):
    cid = lax.axis_index("c")
    sid = lax.axis_index("s")
    wid = sid * NUM_CORES + cid

    row0 = sid * ROWS_MAIN
    pltpu.sync_copy(src_hbm.at[wid], src_v)

    def wait_gather(rows_v, sem):
        pltpu.make_async_copy(x_hbm.at[pl.ds(0, CHUNK)], rows_v, sem).wait()

    def start_dst(j, dst_v, sem):
        off = wid * EDGES_PER_WORKER + j * CHUNK
        pltpu.async_copy(dst_hbm.at[pl.ds(off, CHUNK)], dst_v, sem)

    def wait_dst(dst_v, sem):
        pltpu.make_async_copy(dst_hbm.at[pl.ds(0, CHUNK)], dst_v, sem).wait()

    HALF = CHUNK // 2

    def start_gather(j, rows_v, sem):
        pltpu.async_copy(x_hbm.at[src_v.at[j, pl.ds(0, HALF)]],
                         rows_v.at[pl.ds(0, HALF)], sem)
        pltpu.async_copy(x_hbm.at[src_v.at[j, pl.ds(HALF, HALF)]],
                         rows_v.at[pl.ds(HALF, HALF)], sem)

    def wait_gather2(rows_v, sem):
        pltpu.make_async_copy(x_hbm.at[pl.ds(0, HALF)],
                              rows_v.at[pl.ds(0, HALF)], sem).wait()
        pltpu.make_async_copy(x_hbm.at[pl.ds(0, HALF)],
                              rows_v.at[pl.ds(HALF, HALF)], sem).wait()

    start_dst(0, dst_a, sem_da)
    start_gather(0, rows_a, sem_a)
    start_dst(1, dst_b, sem_db)
    start_gather(1, rows_b, sem_b)

    pltpu.sync_copy(zeros_hbm, agg_sh.at[pl.ds(row0, ROWS_MAIN)])

    @pl.when(sid == NUM_SUBCORES - 1)
    def _zero_tail():
        pltpu.sync_copy(zeros_hbm.at[pl.ds(0, ROWS_TAIL)],
                        agg_sh.at[pl.ds(NUM_SUBCORES * ROWS_MAIN, ROWS_TAIL)])

    plsc.subcore_barrier()

    def body(i, carry):
        j0 = 2 * i
        wait_gather2(rows_a, sem_a)
        wait_dst(dst_a, sem_da)
        pltpu.sync_copy(rows_a, agg_sh.at[dst_a], add=True)
        start_dst(j0 + 2, dst_a, sem_da)
        start_gather(j0 + 2, rows_a, sem_a)
        wait_gather2(rows_b, sem_b)
        wait_dst(dst_b, sem_db)
        pltpu.sync_copy(rows_b, agg_sh.at[dst_b], add=True)
        start_dst(lax.rem(j0 + 3, CHUNKS_PER_WORKER), dst_b, sem_db)
        start_gather(lax.rem(j0 + 3, CHUNKS_PER_WORKER), rows_b, sem_b)
        return carry

    lax.fori_loop(0, PAIRS, body, 0)
    wait_gather2(rows_a, sem_a)
    wait_dst(dst_a, sem_da)
    pltpu.sync_copy(rows_a, agg_sh.at[dst_a], add=True)
    wait_gather2(rows_b, sem_b)
    wait_dst(dst_b, sem_db)

    plsc.subcore_barrier()
    pltpu.sync_copy(agg_sh.at[pl.ds(row0, ROWS_MAIN)],
                    out_hbm.at[pl.ds(cid * N_NODES + row0, ROWS_MAIN)])

    @pl.when(sid == NUM_SUBCORES - 1)
    def _copy_tail():
        pltpu.sync_copy(
            agg_sh.at[pl.ds(NUM_SUBCORES * ROWS_MAIN, ROWS_TAIL)],
            out_hbm.at[pl.ds(cid * N_NODES + NUM_SUBCORES * ROWS_MAIN,
                             ROWS_TAIL)])


def _mlp_body(eps_ref, x_ref, a0_ref, a1_ref, w1_ref, b1_ref, w2_ref, b2_ref,
              o_ref):
    h = x_ref[...] * eps_ref[0] + a0_ref[...] + a1_ref[...]
    h = jnp.dot(h, w1_ref[...], preferred_element_type=jnp.float32) + b1_ref[...]
    h = jnp.where(h > 0, h, 0.01 * h)
    h = jnp.dot(h, w2_ref[...], preferred_element_type=jnp.float32) + b2_ref[...]
    h = jnp.where(h > 0, h, 0.01 * h)
    o_ref[...] = h


_BLK = 2000

_mlp_call = pl.pallas_call(
    _mlp_body,
    out_shape=jax.ShapeDtypeStruct((N_NODES, D), jnp.float32),
    grid=(N_NODES // _BLK,),
    in_specs=[
        pl.BlockSpec(memory_space=pltpu.SMEM),
        pl.BlockSpec((_BLK, D), lambda i: (i, 0)),
        pl.BlockSpec((_BLK, D), lambda i: (i, 0)),
        pl.BlockSpec((_BLK, D), lambda i: (i + N_NODES // _BLK, 0)),
        pl.BlockSpec((D, D), lambda i: (0, 0)),
        pl.BlockSpec((1, D), lambda i: (0, 0)),
        pl.BlockSpec((D, D), lambda i: (0, 0)),
        pl.BlockSpec((1, D), lambda i: (0, 0)),
    ],
    out_specs=pl.BlockSpec((_BLK, D), lambda i: (i, 0)),
)


def kernel(x, edge_index, eps, W1, b1, W2, b2):
    src = edge_index[0].reshape(NUM_WORKERS, CHUNKS_PER_WORKER, CHUNK)
    dst = edge_index[1]
    zeros = jnp.zeros((ROWS_MAIN, D), jnp.float32)
    agg = _sc_aggregate(x, src, dst, zeros)
    scale = jnp.reshape(1.0 + eps, (1,)).astype(jnp.float32)
    out = _mlp_call(scale, x, agg, agg,
                    W1.T, b1.reshape(1, D), W2.T, b2.reshape(1, D))
    return out

# --- scband reference (transcript-rebuilt; emitter-appended) ---
"""Pipeline reference for scband-my-ginconv-v2-72086731096480 (READ-ONLY COPY).

The authoritative reference and input builder live on the scoring server;
editing this copy changes nothing except your own understanding.
"""

import jax, jax.numpy as jnp
import numpy as np

N_NODES = 10000
N_EDGES = 320000
D = 128


def setup_inputs(seed: int = 0) -> dict:
    key = jax.random.key(seed)
    ks = jax.random.split(key, 7)
    x = jax.random.normal(ks[0], (N_NODES, D), dtype=jnp.float32)
    edge_index = jax.random.randint(ks[1], (2, N_EDGES), 0, N_NODES, dtype=jnp.int32)
    # GINConv learned params: eps (train_eps=True, init 0) and a 2-layer MLP
    # size_list = linspace(128,128,3) = [128,128,128]; LeakyReLU after each layer
    eps = jnp.zeros((), dtype=jnp.float32)
    W1 = jax.random.normal(ks[2], (D, D), dtype=jnp.float32) * (1.0 / np.sqrt(D))
    b1 = jnp.zeros((D,), dtype=jnp.float32)
    W2 = jax.random.normal(ks[3], (D, D), dtype=jnp.float32) * (1.0 / np.sqrt(D))
    b2 = jnp.zeros((D,), dtype=jnp.float32)
    return {"x": x, "edge_index": edge_index, "eps": eps, "W1": W1, "b1": b1, "W2": W2, "b2": b2}


def _leaky_relu(h, slope=0.01):
    return jnp.where(h > 0, h, slope * h)


def reference(x, edge_index, eps, W1, b1, W2, b2):
    src = edge_index[0]
    dst = edge_index[1]
    # message: gather source node features
    msgs = jnp.take(x, src, axis=0)
    # aggregate: scatter-add into destination nodes
    agg = jax.ops.segment_sum(msgs, dst, num_segments=N_NODES)
    # GIN update: (1 + eps) * x + sum_aggregated, then MLP
    h = (1.0 + eps) * x + agg
    h = _leaky_relu(jnp.dot(h, W1.T) + b1)
    h = _leaky_relu(jnp.dot(h, W2.T) + b2)
    return h

if __name__ == "__main__":
    import jax
    _d = setup_inputs()
    print(jax.jit(kernel)(*tuple(_d.values())))

</pallas_src>

<mosaic_0001>
#map = affine_map<(d0, d1) -> (0, 0)>
#map1 = affine_map<(d0, d1) -> (0, 0, 0)>
#map2 = affine_map<(d0, d1) -> (0)>
module attributes {stable_mosaic.version = 14 : i64} {
  func.func @_sc_aggregate(%arg0: i32, %arg1: i32, %arg2: memref<10000x128xf32, #tpu.memory_space<hbm>>, %arg3: memref<32x125x80xi32, #tpu.memory_space<hbm>>, %arg4: memref<320000xi32, #tpu.memory_space<hbm>>, %arg5: memref<624x128xf32, #tpu.memory_space<hbm>>, %arg6: memref<20000x128xf32, #tpu.memory_space<hbm>>, %arg7: memref<125x80xi32, #tpu.memory_space<vmem>>, %arg8: memref<80xi32, #tpu.memory_space<vmem>>, %arg9: memref<80xi32, #tpu.memory_space<vmem>>, %arg10: memref<80x128xf32, #tpu.memory_space<vmem>>, %arg11: memref<80x128xf32, #tpu.memory_space<vmem>>, %arg12: memref<10000x128xf32, #tpu.memory_space<vmem_shared>>, %arg13: memref<!tpu.dma_semaphore, #tpu.memory_space<semaphore_mem>>, %arg14: memref<!tpu.dma_semaphore, #tpu.memory_space<semaphore_mem>>, %arg15: memref<!tpu.dma_semaphore, #tpu.memory_space<semaphore_mem>>, %arg16: memref<!tpu.dma_semaphore, #tpu.memory_space<semaphore_mem>>) attributes {dimension_semantics = [#tpu.dimension_semantics<core_parallel>, #tpu.dimension_semantics<subcore_parallel>], iteration_bounds = array<i64: 2, 16>, scalar_prefetch = 0 : i64, scratch_operands = 10 : i64, tpu.core_type = #tpu.core_type<sc_vector_subcore>, window_params = [{transform_indices = #map}, {transform_indices = #map1}, {transform_indices = #map2}, {transform_indices = #map}, {transform_indices = #map}]} {
    %mul3A = arith.constant 2 : i32
    %mul3A_0 = arith.muli %arg1, %mul3A : i32
    %add3A = arith.addi %mul3A_0, %arg0 : i32
    %mul3A_1 = arith.constant 624 : i32
    %mul3A_2 = arith.muli %arg1, %mul3A_1 : i32
    "tpu.region"() ({
      %run_scoped3A = tpu.sem_alloc : memref<!tpu.dma_semaphore, #tpu.memory_space<semaphore_mem>>
      %dma_start3A_125 = arith.constant 0 : i32
      %dma_start3A_126 = arith.constant 0 : i32
      %dma_start3A_127 = tpu.memref_slice %arg3[%add3A, %dma_start3A_125, %dma_start3A_126] : memref<32x125x80xi32, #tpu.memory_space<hbm>> -> memref<1x125x80xi32, #tpu.memory_space<hbm>>
      %dma_start3A_128 = tpu.memref_squeeze %dma_start3A_127 : memref<1x125x80xi32, #tpu.memory_space<hbm>> -> memref<125x80xi32, #tpu.memory_space<hbm>>
      %dma_start3A_129 = arith.constant 0 : i32
      %dma_start3A_130 = arith.constant 0 : i32
      %dma_start3A_131 = tpu.memref_slice %arg3[%add3A, %dma_start3A_129, %dma_start3A_130] : memref<32x125x80xi32, #tpu.memory_space<hbm>> -> memref<1x125x80xi32, #tpu.memory_space<hbm>>
      %dma_start3A_132 = tpu.memref_squeeze %dma_start3A_131 : memref<1x125x80xi32, #tpu.memory_space<hbm>> -> memref<125x80xi32, #tpu.memory_space<hbm>>
      tpu.enqueue_dma source(%dma_start3A_132 : memref<125x80xi32, #tpu.memory_space<hbm>>) target(%arg7 : memref<125x80xi32, #tpu.memory_space<vmem>>) target_semaphore(%run_scoped3A : memref<!tpu.dma_semaphore, #tpu.memory_space<semaphore_mem>>)
      %dma_wait3A_133 = arith.constant 0 : i32
      %dma_wait3A_134 = arith.constant 0 : i32
      %dma_wait3A_135 = tpu.memref_slice %arg3[%add3A, %dma_wait3A_133, %dma_wait3A_134] : memref<32x125x80xi32, #tpu.memory_space<hbm>> -> memref<1x125x80xi32, #tpu.memory_space<hbm>>
      %dma_wait3A_136 = tpu.memref_squeeze %dma_wait3A_135 : memref<1x125x80xi32, #tpu.memory_space<hbm>> -> memref<125x80xi32, #tpu.memory_space<hbm>>
      %dma_wait3A_137 = arith.constant 0 : i32
      %dma_wait3A_138 = arith.constant 0 : i32
      %dma_wait3A_139 = tpu.memref_slice %arg3[%add3A, %dma_wait3A_137, %dma_wait3A_138] : memref<32x125x80xi32, #tpu.memory_space<hbm>> -> memref<1x125x80xi32, #tpu.memory_space<hbm>>
      %dma_wait3A_140 = tpu.memref_squeeze %dma_wait3A_139 : memref<1x125x80xi32, #tpu.memory_space<hbm>> -> memref<125x80xi32, #tpu.memory_space<hbm>>
      tpu.wait_dma2 semaphore(%run_scoped3A : memref<!tpu.dma_semaphore, #tpu.memory_space<semaphore_mem>>) src(%dma_wait3A_140 : memref<125x80xi32, #tpu.memory_space<hbm>>) dst(%arg7 : memref<125x80xi32, #tpu.memory_space<vmem>>)
      tpu.yield
    }) : () -> ()
    %mul3A_3 = arith.constant 10000 : i32
    %mul3A_4 = arith.muli %add3A, %mul3A_3 : i32
    %add3A_5 = arith.constant 0 : i32
    %add3A_6 = arith.addi %mul3A_4, %add3A_5 : i32
    %dma_start3A = tpu.memref_slice %arg4[%add3A_6] : memref<320000xi32, #tpu.memory_space<hbm>> -> memref<80xi32, #tpu.memory_space<hbm>>
    %dma_start3A_7 = tpu.memref_slice %arg4[%add3A_6] : memref<320000xi32, #tpu.memory_space<hbm>> -> memref<80xi32, #tpu.memory_space<hbm>>
    tpu.enqueue_dma source(%dma_start3A_7 : memref<80xi32, #tpu.memory_space<hbm>>) target(%arg8 : memref<80xi32, #tpu.memory_space<vmem>>) target_semaphore(%arg15 : memref<!tpu.dma_semaphore, #tpu.memory_space<semaphore_mem>>)
    %dma_start3A_8 = arith.constant 0 : i32
    %dma_start3A_9 = arith.constant 0 : i32
    %dma_start3A_10 = arith.constant 0 : i32
    %dma_start3A_11 = tpu.memref_slice %arg10[%dma_start3A_9, %dma_start3A_10] : memref<80x128xf32, #tpu.memory_space<vmem>> -> memref<40x128xf32, #tpu.memory_space<vmem>>
    %dma_start3A_12 = arith.constant 0 : i32
    %dma_start3A_13 = tpu.memref_slice %arg7[%dma_start3A_8, %dma_start3A_12] : memref<125x80xi32, #tpu.memory_space<vmem>> -> memref<1x40xi32, #tpu.memory_space<vmem>>
    %dma_start3A_14 = tpu.memref_squeeze %dma_start3A_13 : memref<1x40xi32, #tpu.memory_space<vmem>> -> memref<40xi32, #tpu.memory_space<vmem>>
    %dma_start3A_15 = arith.constant 0 : i32
    %dma_start3A_16 = arith.constant 0 : i32
    %dma_start3A_17 = tpu.memref_slice %arg2[%dma_start3A_15, %dma_start3A_16] : memref<10000x128xf32, #tpu.memory_space<hbm>> -> memref<10000x128xf32, #tpu.memory_space<hbm>>
    tpu.enqueue_indirect_dma source(%dma_start3A_17 : memref<10000x128xf32, #tpu.memory_space<hbm>>) target(%dma_start3A_11 : memref<40x128xf32, #tpu.memory_space<vmem>>) offsets(%dma_start3A_14 : memref<40xi32, #tpu.memory_space<vmem>>) semaphore(%arg13 : memref<!tpu.dma_semaphore, #tpu.memory_space<semaphore_mem>>)
    %dma_start3A_18 = arith.constant 0 : i32
    %dma_start3A_19 = arith.constant 40 : i32
    %dma_start3A_20 = arith.constant 0 : i32
    %dma_start3A_21 = tpu.memref_slice %arg10[%dma_start3A_19, %dma_start3A_20] : memref<80x128xf32, #tpu.memory_space<vmem>> -> memref<40x128xf32, #tpu.memory_space<vmem>>
    %dma_start3A_22 = arith.constant 40 : i32
    %dma_start3A_23 = tpu.memref_slice %arg7[%dma_start3A_18, %dma_start3A_22] : memref<125x80xi32, #tpu.memory_space<vmem>> -> memref<1x40xi32, #tpu.memory_space<vmem>>
    %dma_start3A_24 = tpu.memref_squeeze %dma_start3A_23 : memref<1x40xi32, #tpu.memory_space<vmem>> -> memref<40xi32, #tpu.memory_space<vmem>>
    %dma_start3A_25 = arith.constant 0 : i32
    %dma_start3A_26 = arith.constant 0 : i32
    %dma_start3A_27 = tpu.memref_slice %arg2[%dma_start3A_25, %dma_start3A_26] : memref<10000x128xf32, #tpu.memory_space<hbm>> -> memref<10000x128xf32, #tpu.memory_space<hbm>>
    tpu.enqueue_indirect_dma source(%dma_start3A_27 : memref<10000x128xf32, #tpu.memory_space<hbm>>) target(%dma_start3A_21 : memref<40x128xf32, #tpu.memory_space<vmem>>) offsets(%dma_start3A_24 : memref<40xi32, #tpu.memory_space<vmem>>) semaphore(%arg13 : memref<!tpu.dma_semaphore, #tpu.memory_space<semaphore_mem>>)
    %mul3A_28 = arith.constant 10000 : i32
    %mul3A_29 = arith.muli %add3A, %mul3A_28 : i32
    %add3A_30 = arith.constant 80 : i32
    %add3A_31 = arith.addi %mul3A_29, %add3A_30 : i32
    %dma_start3A_32 = tpu.memref_slice %arg4[%add3A_31] : memref<320000xi32, #tpu.memory_space<hbm>> -> memref<80xi32, #tpu.memory_space<hbm>>
    %dma_start3A_33 = tpu.memref_slice %arg4[%add3A_31] : memref<320000xi32, #tpu.memory_space<hbm>> -> memref<80xi32, #tpu.memory_space<hbm>>
    tpu.enqueue_dma source(%dma_start3A_33 : memref<80xi32, #tpu.memory_space<hbm>>) target(%arg9 : memref<80xi32, #tpu.memory_space<vmem>>) target_semaphore(%arg16 : memref<!tpu.dma_semaphore, #tpu.memory_space<semaphore_mem>>)
    %dma_start3A_34 = arith.constant 1 : i32
    %dma_start3A_35 = arith.constant 0 : i32
    %dma_start3A_36 = arith.constant 0 : i32
    %dma_start3A_37 = tpu.memref_slice %arg11[%dma_start3A_35, %dma_start3A_36] : memref<80x128xf32, #tpu.memory_space<vmem>> -> memref<40x128xf32, #tpu.memory_space<vmem>>
    %dma_start3A_38 = arith.constant 0 : i32
    %dma_start3A_39 = tpu.memref_slice %arg7[%dma_start3A_34, %dma_start3A_38] : memref<125x80xi32, #tpu.memory_space<vmem>> -> memref<1x40xi32, #tpu.memory_space<vmem>>
    %dma_start3A_40 = tpu.memref_squeeze %dma_start3A_39 : memref<1x40xi32, #tpu.memory_space<vmem>> -> memref<40xi32, #tpu.memory_space<vmem>>
    %dma_start3A_41 = arith.constant 0 : i32
    %dma_start3A_42 = arith.constant 0 : i32
    %dma_start3A_43 = tpu.memref_slice %arg2[%dma_start3A_41, %dma_start3A_42] : memref<10000x128xf32, #tpu.memory_space<hbm>> -> memref<10000x128xf32, #tpu.memory_space<hbm>>
    tpu.enqueue_indirect_dma source(%dma_start3A_43 : memref<10000x128xf32, #tpu.memory_space<hbm>>) target(%dma_start3A_37 : memref<40x128xf32, #tpu.memory_space<vmem>>) offsets(%dma_start3A_40 : memref<40xi32, #tpu.memory_space<vmem>>) semaphore(%arg14 : memref<!tpu.dma_semaphore, #tpu.memory_space<semaphore_mem>>)
    %dma_start3A_44 = arith.constant 1 : i32
    %dma_start3A_45 = arith.constant 40 : i32
    %dma_start3A_46 = arith.constant 0 : i32
    %dma_start3A_47 = tpu.memref_slice %arg11[%dma_start3A_45, %dma_start3A_46] : memref<80x128xf32, #tpu.memory_space<vmem>> -> memref<40x128xf32, #tpu.memory_space<vmem>>
    %dma_start3A_48 = arith.constant 40 : i32
    %dma_start3A_49 = tpu.memref_slice %arg7[%dma_start3A_44, %dma_start3A_48] : memref<125x80xi32, #tpu.memory_space<vmem>> -> memref<1x40xi32, #tpu.memory_space<vmem>>
    %dma_start3A_50 = tpu.memref_squeeze %dma_start3A_49 : memref<1x40xi32, #tpu.memory_space<vmem>> -> memref<40xi32, #tpu.memory_space<vmem>>
    %dma_start3A_51 = arith.constant 0 : i32
    %dma_start3A_52 = arith.constant 0 : i32
    %dma_start3A_53 = tpu.memref_slice %arg2[%dma_start3A_51, %dma_start3A_52] : memref<10000x128xf32, #tpu.memory_space<hbm>> -> memref<10000x128xf32, #tpu.memory_space<hbm>>
    tpu.enqueue_indirect_dma source(%dma_start3A_53 : memref<10000x128xf32, #tpu.memory_space<hbm>>) target(%dma_start3A_47 : memref<40x128xf32, #tpu.memory_space<vmem>>) offsets(%dma_start3A_50 : memref<40xi32, #tpu.memory_space<vmem>>) semaphore(%arg14 : memref<!tpu.dma_semaphore, #tpu.memory_space<semaphore_mem>>)
    "tpu.region"() ({
      %run_scoped3A = tpu.sem_alloc : memref<!tpu.dma_semaphore, #tpu.memory_space<semaphore_mem>>
      %dma_start3A_125 = arith.constant 0 : i32
      %dma_start3A_126 = tpu.memref_slice %arg12[%mul3A_2, %dma_start3A_125] : memref<10000x128xf32, #tpu.memory_space<vmem_shared>> -> memref<624x128xf32, #tpu.memory_space<vmem_shared>>
      tpu.enqueue_dma source(%arg5 : memref<624x128xf32, #tpu.memory_space<hbm>>) target(%dma_start3A_126 : memref<624x128xf32, #tpu.memory_space<vmem_shared>>) target_semaphore(%run_scoped3A : memref<!tpu.dma_semaphore, #tpu.memory_space<semaphore_mem>>)
      %dma_wait3A_127 = arith.constant 0 : i32
      %dma_wait3A_128 = tpu.memref_slice %arg12[%mul3A_2, %dma_wait3A_127] : memref<10000x128xf32, #tpu.memory_space<vmem_shared>> -> memref<624x128xf32, #tpu.memory_space<vmem_shared>>
      tpu.wait_dma2 semaphore(%run_scoped3A : memref<!tpu.dma_semaphore, #tpu.memory_space<semaphore_mem>>) src(%arg5 : memref<624x128xf32, #tpu.memory_space<hbm>>) dst(%dma_wait3A_128 : memref<624x128xf32, #tpu.memory_space<vmem_shared>>)
      tpu.yield
    }) : () -> ()
    %eq3A = arith.constant 15 : i32
    %eq3A_54 = arith.cmpi eq, %arg1, %eq3A : i32
    %convert_element_type3A = arith.extui %eq3A_54 : i1 to i32
    %cond3A = arith.constant 0 : i32
    %cond3A_55 = arith.cmpi ne, %convert_element_type3A, %cond3A : i32
    scf.if %cond3A_55 {
      "tpu.region"() ({
        %run_scoped3A = tpu.sem_alloc : memref<!tpu.dma_semaphore, #tpu.memory_space<semaphore_mem>>
        %dma_start3A_125 = arith.constant 9984 : i32
        %dma_start3A_126 = arith.constant 0 : i32
        %dma_start3A_127 = tpu.memref_slice %arg12[%dma_start3A_125, %dma_start3A_126] : memref<10000x128xf32, #tpu.memory_space<vmem_shared>> -> memref<16x128xf32, #tpu.memory_space<vmem_shared>>
        %dma_start3A_128 = arith.constant 0 : i32
        %dma_start3A_129 = arith.constant 0 : i32
        %dma_start3A_130 = tpu.memref_slice %arg5[%dma_start3A_128, %dma_start3A_129] : memref<624x128xf32, #tpu.memory_space<hbm>> -> memref<16x128xf32, #tpu.memory_space<hbm>>
        tpu.enqueue_dma source(%dma_start3A_130 : memref<16x128xf32, #tpu.memory_space<hbm>>) target(%dma_start3A_127 : memref<16x128xf32, #tpu.memory_space<vmem_shared>>) target_semaphore(%run_scoped3A : memref<!tpu.dma_semaphore, #tpu.memory_space<semaphore_mem>>)
        %dma_wait3A_131 = arith.constant 9984 : i32
        %dma_wait3A_132 = arith.constant 0 : i32
        %dma_wait3A_133 = tpu.memref_slice %arg12[%dma_wait3A_131, %dma_wait3A_132] : memref<10000x128xf32, #tpu.memory_space<vmem_shared>> -> memref<16x128xf32, #tpu.memory_space<vmem_shared>>
        %dma_wait3A_134 = arith.constant 0 : i32
        %dma_wait3A_135 = arith.constant 0 : i32
        %dma_wait3A_136 = tpu.memref_slice %arg5[%dma_wait3A_134, %dma_wait3A_135] : memref<624x128xf32, #tpu.memory_space<hbm>> -> memref<16x128xf32, #tpu.memory_space<hbm>>
        tpu.wait_dma2 semaphore(%run_scoped3A : memref<!tpu.dma_semaphore, #tpu.memory_space<semaphore_mem>>) src(%dma_wait3A_136 : memref<16x128xf32, #tpu.memory_space<hbm>>) dst(%dma_wait3A_133 : memref<16x128xf32, #tpu.memory_space<vmem_shared>>)
        tpu.yield
      }) : () -> ()
    } else {
    }
    %barrier3A = arith.constant 0 : index
    tpu.barrier barrier_id(%barrier3A)
    %scan3A = arith.constant 0 : i32
    %scan3A_56 = arith.constant 0 : i32
    %scan3A_57 = arith.constant 62 : i32
    %scan3A_58 = arith.addi %scan3A_56, %scan3A_57 : i32
    %scan3A_59 = arith.constant 1 : i32
    scf.for %scan3A_125 = %scan3A_56 to %scan3A_58 step %scan3A_59  : i32 {
      %mul3A_126 = arith.constant 2 : i32
      %mul3A_127 = arith.muli %mul3A_126, %scan3A_125 : i32
      %dma_wait3A_128 = arith.constant 0 : i32
      %dma_wait3A_129 = arith.constant 0 : i32
      %dma_wait3A_130 = tpu.memref_slice %arg10[%dma_wait3A_128, %dma_wait3A_129] : memref<80x128xf32, #tpu.memory_space<vmem>> -> memref<40x128xf32, #tpu.memory_space<vmem>>
      %dma_wait3A_131 = arith.constant 0 : i32
      %dma_wait3A_132 = arith.constant 0 : i32
      %dma_wait3A_133 = tpu.memref_slice %arg2[%dma_wait3A_131, %dma_wait3A_132] : memref<10000x128xf32, #tpu.memory_space<hbm>> -> memref<40x128xf32, #tpu.memory_space<hbm>>
      %dma_wait3A_134 = arith.constant 0 : i32
      %dma_wait3A_135 = arith.constant 0 : i32
      %dma_wait3A_136 = tpu.memref_slice %arg10[%dma_wait3A_134, %dma_wait3A_135] : memref<80x128xf32, #tpu.memory_space<vmem>> -> memref<40x128xf32, #tpu.memory_space<vmem>>
      %dma_wait3A_137 = arith.constant 0 : i32
      %dma_wait3A_138 = arith.constant 0 : i32
      %dma_wait3A_139 = tpu.memref_slice %arg2[%dma_wait3A_137, %dma_wait3A_138] : memref<10000x128xf32, #tpu.memory_space<hbm>> -> memref<40x128xf32, #tpu.memory_space<hbm>>
      tpu.wait_dma2 semaphore(%arg13 : memref<!tpu.dma_semaphore, #tpu.memory_space<semaphore_mem>>) src(%dma_wait3A_139 : memref<40x128xf32, #tpu.memory_space<hbm>>) dst(%dma_wait3A_136 : memref<40x128xf32, #tpu.memory_space<vmem>>)
      %dma_wait3A_140 = arith.constant 40 : i32
      %dma_wait3A_141 = arith.constant 0 : i32
      %dma_wait3A_142 = tpu.memref_slice %arg10[%dma_wait3A_140, %dma_wait3A_141] : memref<80x128xf32, #tpu.memory_space<vmem>> -> memref<40x128xf32, #tpu.memory_space<vmem>>
      %dma_wait3A_143 = arith.constant 0 : i32
      %dma_wait3A_144 = arith.constant 0 : i32
      %dma_wait3A_145 = tpu.memref_slice %arg2[%dma_wait3A_143, %dma_wait3A_144] : memref<10000x128xf32, #tpu.memory_space<hbm>> -> memref<40x128xf32, #tpu.memory_space<hbm>>
      %dma_wait3A_146 = arith.constant 40 : i32
      %dma_wait3A_147 = arith.constant 0 : i32
      %dma_wait3A_148 = tpu.memref_slice %arg10[%dma_wait3A_146, %dma_wait3A_147] : memref<80x128xf32, #tpu.memory_space<vmem>> -> memref<40x128xf32, #tpu.memory_space<vmem>>
      %dma_wait3A_149 = arith.constant 0 : i32
      %dma_wait3A_150 = arith.constant 0 : i32
      %dma_wait3A_151 = tpu.memref_slice %arg2[%dma_wait3A_149, %dma_wait3A_150] : memref<10000x128xf32, #tpu.memory_space<hbm>> -> memref<40x128xf32, #tpu.memory_space<hbm>>
      tpu.wait_dma2 semaphore(%arg13 : memref<!tpu.dma_semaphore, #tpu.memory_space<semaphore_mem>>) src(%dma_wait3A_151 : memref<40x128xf32, #tpu.memory_space<hbm>>) dst(%dma_wait3A_148 : memref<40x128xf32, #tpu.memory_space<vmem>>)
      %dma_wait3A_152 = arith.constant 0 : i32
      %dma_wait3A_153 = tpu.memref_slice %arg4[%dma_wait3A_152] : memref<320000xi32, #tpu.memory_space<hbm>> -> memref<80xi32, #tpu.memory_space<hbm>>
      %dma_wait3A_154 = arith.constant 0 : i32
      %dma_wait3A_155 = tpu.memref_slice %arg4[%dma_wait3A_154] : memref<320000xi32, #tpu.memory_space<hbm>> -> memref<80xi32, #tpu.memory_space<hbm>>
      tpu.wait_dma2 semaphore(%arg15 : memref<!tpu.dma_semaphore, #tpu.memory_space<semaphore_mem>>) src(%dma_wait3A_155 : memref<80xi32, #tpu.memory_space<hbm>>) dst(%arg8 : memref<80xi32, #tpu.memory_space<vmem>>)
      "tpu.region"() ({
        %run_scoped3A = tpu.sem_alloc : memref<!tpu.dma_semaphore, #tpu.memory_space<semaphore_mem>>
        %dma_start3A_245 = arith.constant 0 : i32
        %dma_start3A_246 = arith.constant 0 : i32
        %dma_start3A_247 = tpu.memref_slice %arg12[%dma_start3A_245, %dma_start3A_246] : memref<10000x128xf32, #tpu.memory_space<vmem_shared>> -> memref<10000x128xf32, #tpu.memory_space<vmem_shared>>
        tpu.enqueue_indirect_dma source(%arg10 : memref<80x128xf32, #tpu.memory_space<vmem>>) target(%dma_start3A_247 : memref<10000x128xf32, #tpu.memory_space<vmem_shared>>) offsets(%arg8 : memref<80xi32, #tpu.memory_space<vmem>>) semaphore(%run_scoped3A : memref<!tpu.dma_semaphore, #tpu.memory_space<semaphore_mem>>) {add = true}
        %dma_wait3A_248 = arith.constant 0 : i32
        %dma_wait3A_249 = arith.constant 0 : i32
        %dma_wait3A_250 = tpu.memref_slice %arg12[%dma_wait3A_248, %dma_wait3A_249] : memref<10000x128xf32, #tpu.memory_space<vmem_shared>> -> memref<10000x128xf32, #tpu.memory_space<vmem_shared>>
        tpu.wait_indirect_dma semaphore(%run_scoped3A : memref<!tpu.dma_semaphore, #tpu.memory_space<semaphore_mem>>) src(%arg10 : memref<80x128xf32, #tpu.memory_space<vmem>>) dst(%dma_wait3A_250 : memref<10000x128xf32, #tpu.memory_space<vmem_shared>>)
        tpu.yield
      }) : () -> ()
      %add3A_156 = arith.constant 2 : i32
      %add3A_157 = arith.addi %mul3A_127, %add3A_156 : i32
      %mul3A_158 = arith.constant 10000 : i32
      %mul3A_159 = arith.muli %add3A, %mul3A_158 : i32
      %mul3A_160 = arith.constant 80 : i32
      %mul3A_161 = arith.muli %add3A_157, %mul3A_160 : i32
      %add3A_162 = arith.addi %mul3A_159, %mul3A_161 : i32
      %dma_start3A_163 = tpu.memref_slice %arg4[%add3A_162] : memref<320000xi32, #tpu.memory_space<hbm>> -> memref<80xi32, #tpu.memory_space<hbm>>
      %dma_start3A_164 = tpu.memref_slice %arg4[%add3A_162] : memref<320000xi32, #tpu.memory_space<hbm>> -> memref<80xi32, #tpu.memory_space<hbm>>
      tpu.enqueue_dma source(%dma_start3A_164 : memref<80xi32, #tpu.memory_space<hbm>>) target(%arg8 : memref<80xi32, #tpu.memory_space<vmem>>) target_semaphore(%arg15 : memref<!tpu.dma_semaphore, #tpu.memory_space<semaphore_mem>>)
      %add3A_165 = arith.constant 2 : i32
      %add3A_166 = arith.addi %mul3A_127, %add3A_165 : i32
      %dma_start3A_167 = arith.constant 0 : i32
      %dma_start3A_168 = arith.constant 0 : i32
      %dma_start3A_169 = tpu.memref_slice %arg10[%dma_start3A_167, %dma_start3A_168] : memref<80x128xf32, #tpu.memory_space<vmem>> -> memref<40x128xf32, #tpu.memory_space<vmem>>
      %dma_start3A_170 = arith.constant 0 : i32
      %dma_start3A_171 = tpu.memref_slice %arg7[%add3A_166, %dma_start3A_170] : memref<125x80xi32, #tpu.memory_space<vmem>> -> memref<1x40xi32, #tpu.memory_space<vmem>>
      %dma_start3A_172 = tpu.memref_squeeze %dma_start3A_171 : memref<1x40xi32, #tpu.memory_space<vmem>> -> memref<40xi32, #tpu.memory_space<vmem>>
      %dma_start3A_173 = arith.constant 0 : i32
      %dma_start3A_174 = arith.constant 0 : i32
      %dma_start3A_175 = tpu.memref_slice %arg2[%dma_start3A_173, %dma_start3A_174] : memref<10000x128xf32, #tpu.memory_space<hbm>> -> memref<10000x128xf32, #tpu.memory_space<hbm>>
      tpu.enqueue_indirect_dma source(%dma_start3A_175 : memref<10000x128xf32, #tpu.memory_space<hbm>>) target(%dma_start3A_169 : memref<40x128xf32, #tpu.memory_space<vmem>>) offsets(%dma_start3A_172 : memref<40xi32, #tpu.memory_space<vmem>>) semaphore(%arg13 : memref<!tpu.dma_semaphore, #tpu.memory_space<semaphore_mem>>)
      %dma_start3A_176 = arith.constant 40 : i32
      %dma_start3A_177 = arith.constant 0 : i32
      %dma_start3A_178 = tpu.memref_slice %arg10[%dma_start3A_176, %dma_start3A_177] : memref<80x128xf32, #tpu.memory_space<vmem>> -> memref<40x128xf32, #tpu.memory_space<vmem>>
      %dma_start3A_179 = arith.constant 40 : i32
      %dma_start3A_180 = tpu.memref_slice %arg7[%add3A_166, %dma_start3A_179] : memref<125x80xi32, #tpu.memory_space<vmem>> -> memref<1x40xi32, #tpu.memory_space<vmem>>
      %dma_start3A_181 = tpu.memref_squeeze %dma_start3A_180 : memref<1x40xi32, #tpu.memory_space<vmem>> -> memref<40xi32, #tpu.memory_space<vmem>>
      %dma_start3A_182 = arith.constant 0 : i32
      %dma_start3A_183 = arith.constant 0 : i32
      %dma_start3A_184 = tpu.memref_slice %arg2[%dma_start3A_182, %dma_start3A_183] : memref<10000x128xf32, #tpu.memory_space<hbm>> -> memref<10000x128xf32, #tpu.memory_space<hbm>>
      tpu.enqueue_indirect_dma source(%dma_start3A_184 : memref<10000x128xf32, #tpu.memory_space<hbm>>) target(%dma_start3A_178 : memref<40x128xf32, #tpu.memory_space<vmem>>) offsets(%dma_start3A_181 : memref<40xi32, #tpu.memory_space<vmem>>) semaphore(%arg13 : memref<!tpu.dma_semaphore, #tpu.memory_space<semaphore_mem>>)
      %dma_wait3A_185 = arith.constant 0 : i32
      %dma_wait3A_186 = arith.constant 0 : i32
      %dma_wait3A_187 = tpu.memref_slice %arg11[%dma_wait3A_185, %dma_wait3A_186] : memref<80x128xf32, #tpu.memory_space<vmem>> -> memref<40x128xf32, #tpu.memory_space<vmem>>
      %dma_wait3A_188 = arith.constant 0 : i32
      %dma_wait3A_189 = arith.constant 0 : i32
      %dma_wait3A_190 = tpu.memref_slice %arg2[%dma_wait3A_188, %dma_wait3A_189] : memref<10000x128xf32, #tpu.memory_space<hbm>> -> memref<40x128xf32, #tpu.memory_space<hbm>>
      %dma_wait3A_191 = arith.constant 0 : i32
      %dma_wait3A_192 = arith.constant 0 : i32
      %dma_wait3A_193 = tpu.memref_slice %arg11[%dma_wait3A_191, %dma_wait3A_192] : memref<80x128xf32, #tpu.memory_space<vmem>> -> memref<40x128xf32, #tpu.memory_space<vmem>>
      %dma_wait3A_194 = arith.constant 0 : i32
      %dma_wait3A_195 = arith.constant 0 : i32
      %dma_wait3A_196 = tpu.memref_slice %arg2[%dma_wait3A_194, %dma_wait3A_195] : memref<10000x128xf32, #tpu.memory_space<hbm>> -> memref<40x128xf32, #tpu.memory_space<hbm>>
      tpu.wait_dma2 semaphore(%arg14 : memref<!tpu.dma_semaphore, #tpu.memory_space<semaphore_mem>>) src(%dma_wait3A_196 : memref<40x128xf32, #tpu.memory_space<hbm>>) dst(%dma_wait3A_193 : memref<40x128xf32, #tpu.memory_space<vmem>>)
      %dma_wait3A_197 = arith.constant 40 : i32
      %dma_wait3A_198 = arith.constant 0 : i32
      %dma_wait3A_199 = tpu.memref_slice %arg11[%dma_wait3A_197, %dma_wait3A_198] : memref<80x128xf32, #tpu.memory_space<vmem>> -> memref<40x128xf32, #tpu.memory_space<vmem>>
      %dma_wait3A_200 = arith.constant 0 : i32
      %dma_wait3A_201 = arith.constant 0 : i32
      %dma_wait3A_202 = tpu.memref_slice %arg2[%dma_wait3A_200, %dma_wait3A_201] : memref<10000x128xf32, #tpu.memory_space<hbm>> -> memref<40x128xf32, #tpu.memory_space<hbm>>
      %dma_wait3A_203 = arith.constant 40 : i32
      %dma_wait3A_204 = arith.constant 0 : i32
      %dma_wait3A_205 = tpu.memref_slice %arg11[%dma_wait3A_203, %dma_wait3A_204] : memref<80x128xf32, #tpu.memory_space<vmem>> -> memref<40x128xf32, #tpu.memory_space<vmem>>
      %dma_wait3A_206 = arith.constant 0 : i32
      %dma_wait3A_207 = arith.constant 0 : i32
      %dma_wait3A_208 = tpu.memref_slice %arg2[%dma_wait3A_206, %dma_wait3A_207] : memref<10000x128xf32, #tpu.memory_space<hbm>> -> memref<40x128xf32, #tpu.memory_space<hbm>>
      tpu.wait_dma2 semaphore(%arg14 : memref<!tpu.dma_semaphore, #tpu.memory_space<semaphore_mem>>) src(%dma_wait3A_208 : memref<40x128xf32, #tpu.memory_space<hbm>>) dst(%dma_wait3A_205 : memref<40x128xf32, #tpu.memory_space<vmem>>)
      %dma_wait3A_209 = arith.constant 0 : i32
      %dma_wait3A_210 = tpu.memref_slice %arg4[%dma_wait3A_209] : memref<320000xi32, #tpu.memory_space<hbm>> -> memref<80xi32, #tpu.memory_space<hbm>>
      %dma_wait3A_211 = arith.constant 0 : i32
      %dma_wait3A_212 = tpu.memref_slice %arg4[%dma_wait3A_211] : memref<320000xi32, #tpu.memory_space<hbm>> -> memref<80xi32, #tpu.memory_space<hbm>>
      tpu.wait_dma2 semaphore(%arg16 : memref<!tpu.dma_semaphore, #tpu.memory_space<semaphore_mem>>) src(%dma_wait3A_212 : memref<80xi32, #tpu.memory_space<hbm>>) dst(%arg9 : memref<80xi32, #tpu.memory_space<vmem>>)
      "tpu.region"() ({
        %run_scoped3A = tpu.sem_alloc : memref<!tpu.dma_semaphore, #tpu.memory_space<semaphore_mem>>
        %dma_start3A_245 = arith.constant 0 : i32
        %dma_start3A_246 = arith.constant 0 : i32
        %dma_start3A_247 = tpu.memref_slice %arg12[%dma_start3A_245, %dma_start3A_246] : memref<10000x128xf32, #tpu.memory_space<vmem_shared>> -> memref<10000x128xf32, #tpu.memory_space<vmem_shared>>
        tpu.enqueue_indirect_dma source(%arg11 : memref<80x128xf32, #tpu.memory_space<vmem>>) target(%dma_start3A_247 : memref<10000x128xf32, #tpu.memory_space<vmem_shared>>) offsets(%arg9 : memref<80xi32, #tpu.memory_space<vmem>>) semaphore(%run_scoped3A : memref<!tpu.dma_semaphore, #tpu.memory_space<semaphore_mem>>) {add = true}
        %dma_wait3A_248 = arith.constant 0 : i32
        %dma_wait3A_249 = arith.constant 0 : i32
        %dma_wait3A_250 = tpu.memref_slice %arg12[%dma_wait3A_248, %dma_wait3A_249] : memref<10000x128xf32, #tpu.memory_space<vmem_shared>> -> memref<10000x128xf32, #tpu.memory_space<vmem_shared>>
        tpu.wait_indirect_dma semaphore(%run_scoped3A : memref<!tpu.dma_semaphore, #tpu.memory_space<semaphore_mem>>) src(%arg11 : memref<80x128xf32, #tpu.memory_space<vmem>>) dst(%dma_wait3A_250 : memref<10000x128xf32, #tpu.memory_space<vmem_shared>>)
        tpu.yield
      }) : () -> ()
      %add3A_213 = arith.constant 3 : i32
      %add3A_214 = arith.addi %mul3A_127, %add3A_213 : i32
      %rem3A = arith.constant 125 : i32
      %rem3A_215 = arith.remsi %add3A_214, %rem3A : i32
      %mul3A_216 = arith.constant 10000 : i32
      %mul3A_217 = arith.muli %add3A, %mul3A_216 : i32
      %mul3A_218 = arith.constant 80 : i32
      %mul3A_219 = arith.muli %rem3A_215, %mul3A_218 : i32
      %add3A_220 = arith.addi %mul3A_217, %mul3A_219 : i32
      %dma_start3A_221 = tpu.memref_slice %arg4[%add3A_220] : memref<320000xi32, #tpu.memory_space<hbm>> -> memref<80xi32, #tpu.memory_space<hbm>>
      %dma_start3A_222 = tpu.memref_slice %arg4[%add3A_220] : memref<320000xi32, #tpu.memory_space<hbm>> -> memref<80xi32, #tpu.memory_space<hbm>>
      tpu.enqueue_dma source(%dma_start3A_222 : memref<80xi32, #tpu.memory_space<hbm>>) target(%arg9 : memref<80xi32, #tpu.memory_space<vmem>>) target_semaphore(%arg16 : memref<!tpu.dma_semaphore, #tpu.memory_space<semaphore_mem>>)
      %add3A_223 = arith.constant 3 : i32
      %add3A_224 = arith.addi %mul3A_127, %add3A_223 : i32
      %rem3A_225 = arith.constant 125 : i32
      %rem3A_226 = arith.remsi %add3A_224, %rem3A_225 : i32
      %dma_start3A_227 = arith.constant 0 : i32
      %dma_start3A_228 = arith.constant 0 : i32
      %dma_start3A_229 = tpu.memref_slice %arg11[%dma_start3A_227, %dma_start3A_228] : memref<80x128xf32, #tpu.memory_space<vmem>> -> memref<40x128xf32, #tpu.memory_space<vmem>>
      %dma_start3A_230 = arith.constant 0 : i32
      %dma_start3A_231 = tpu.memref_slice %arg7[%rem3A_226, %dma_start3A_230] : memref<125x80xi32, #tpu.memory_space<vmem>> -> memref<1x40xi32, #tpu.memory_space<vmem>>
      %dma_start3A_232 = tpu.memref_squeeze %dma_start3A_231 : memref<1x40xi32, #tpu.memory_space<vmem>> -> memref<40xi32, #tpu.memory_space<vmem>>
      %dma_start3A_233 = arith.constant 0 : i32
      %dma_start3A_234 = arith.constant 0 : i32
      %dma_start3A_235 = tpu.memref_slice %arg2[%dma_start3A_233, %dma_start3A_234] : memref<10000x128xf32, #tpu.memory_space<hbm>> -> memref<10000x128xf32, #tpu.memory_space<hbm>>
      tpu.enqueue_indirect_dma source(%dma_start3A_235 : memref<10000x128xf32, #tpu.memory_space<hbm>>) target(%dma_start3A_229 : memref<40x128xf32, #tpu.memory_space<vmem>>) offsets(%dma_start3A_232 : memref<40xi32, #tpu.memory_space<vmem>>) semaphore(%arg14 : memref<!tpu.dma_semaphore, #tpu.memory_space<semaphore_mem>>)
      %dma_start3A_236 = arith.constant 40 : i32
      %dma_start3A_237 = arith.constant 0 : i32
      %dma_start3A_238 = tpu.memref_slice %arg11[%dma_start3A_236, %dma_start3A_237] : memref<80x128xf32, #tpu.memory_space<vmem>> -> memref<40x128xf32, #tpu.memory_space<vmem>>
      %dma_start3A_239 = arith.constant 40 : i32
      %dma_start3A_240 = tpu.memref_slice %arg7[%rem3A_226, %dma_start3A_239] : memref<125x80xi32, #tpu.memory_space<vmem>> -> memref<1x40xi32, #tpu.memory_space<vmem>>
      %dma_start3A_241 = tpu.memref_squeeze %dma_start3A_240 : memref<1x40xi32, #tpu.memory_space<vmem>> -> memref<40xi32, #tpu.memory_space<vmem>>
      %dma_start3A_242 = arith.constant 0 : i32
      %dma_start3A_243 = arith.constant 0 : i32
      %dma_start3A_244 = tpu.memref_slice %arg2[%dma_start3A_242, %dma_start3A_243] : memref<10000x128xf32, #tpu.memory_space<hbm>> -> memref<10000x128xf32, #tpu.memory_space<hbm>>
      tpu.enqueue_indirect_dma source(%dma_start3A_244 : memref<10000x128xf32, #tpu.memory_space<hbm>>) target(%dma_start3A_238 : memref<40x128xf32, #tpu.memory_space<vmem>>) offsets(%dma_start3A_241 : memref<40xi32, #tpu.memory_space<vmem>>) semaphore(%arg14 : memref<!tpu.dma_semaphore, #tpu.memory_space<semaphore_mem>>)
    }
    %scan3A_60 = arith.constant 62 : i32
    %dma_wait3A = arith.constant 0 : i32
    %dma_wait3A_61 = arith.constant 0 : i32
    %dma_wait3A_62 = tpu.memref_slice %arg10[%dma_wait3A, %dma_wait3A_61] : memref<80x128xf32, #tpu.memory_space<vmem>> -> memref<40x128xf32, #tpu.memory_space<vmem>>
    %dma_wait3A_63 = arith.constant 0 : i32
    %dma_wait3A_64 = arith.constant 0 : i32
    %dma_wait3A_65 = tpu.memref_slice %arg2[%dma_wait3A_63, %dma_wait3A_64] : memref<10000x128xf32, #tpu.memory_space<hbm>> -> memref<40x128xf32, #tpu.memory_space<hbm>>
    %dma_wait3A_66 = arith.constant 0 : i32
    %dma_wait3A_67 = arith.constant 0 : i32
    %dma_wait3A_68 = tpu.memref_slice %arg10[%dma_wait3A_66, %dma_wait3A_67] : memref<80x128xf32, #tpu.memory_space<vmem>> -> memref<40x128xf32, #tpu.memory_space<vmem>>
    %dma_wait3A_69 = arith.constant 0 : i32
    %dma_wait3A_70 = arith.constant 0 : i32
    %dma_wait3A_71 = tpu.memref_slice %arg2[%dma_wait3A_69, %dma_wait3A_70] : memref<10000x128xf32, #tpu.memory_space<hbm>> -> memref<40x128xf32, #tpu.memory_space<hbm>>
    tpu.wait_dma2 semaphore(%arg13 : memref<!tpu.dma_semaphore, #tpu.memory_space<semaphore_mem>>) src(%dma_wait3A_71 : memref<40x128xf32, #tpu.memory_space<hbm>>) dst(%dma_wait3A_68 : memref<40x128xf32, #tpu.memory_space<vmem>>)
    %dma_wait3A_72 = arith.constant 40 : i32
    %dma_wait3A_73 = arith.constant 0 : i32
    %dma_wait3A_74 = tpu.memref_slice %arg10[%dma_wait3A_72, %dma_wait3A_73] : memref<80x128xf32, #tpu.memory_space<vmem>> -> memref<40x128xf32, #tpu.memory_space<vmem>>
    %dma_wait3A_75 = arith.constant 0 : i32
    %dma_wait3A_76 = arith.constant 0 : i32
    %dma_wait3A_77 = tpu.memref_slice %arg2[%dma_wait3A_75, %dma_wait3A_76] : memref<10000x128xf32, #tpu.memory_space<hbm>> -> memref<40x128xf32, #tpu.memory_space<hbm>>
    %dma_wait3A_78 = arith.constant 40 : i32
    %dma_wait3A_79 = arith.constant 0 : i32
    %dma_wait3A_80 = tpu.memref_slice %arg10[%dma_wait3A_78, %dma_wait3A_79] : memref<80x128xf32, #tpu.memory_space<vmem>> -> memref<40x128xf32, #tpu.memory_space<vmem>>
    %dma_wait3A_81 = arith.constant 0 : i32
    %dma_wait3A_82 = arith.constant 0 : i32
    %dma_wait3A_83 = tpu.memref_slice %arg2[%dma_wait3A_81, %dma_wait3A_82] : memref<10000x128xf32, #tpu.memory_space<hbm>> -> memref<40x128xf32, #tpu.memory_space<hbm>>
    tpu.wait_dma2 semaphore(%arg13 : memref<!tpu.dma_semaphore, #tpu.memory_space<semaphore_mem>>) src(%dma_wait3A_83 : memref<40x128xf32, #tpu.memory_space<hbm>>) dst(%dma_wait3A_80 : memref<40x128xf32, #tpu.memory_space<vmem>>)
    %dma_wait3A_84 = arith.constant 0 : i32
    %dma_wait3A_85 = tpu.memref_slice %arg4[%dma_wait3A_84] : memref<320000xi32, #tpu.memory_space<hbm>> -> memref<80xi32, #tpu.memory_space<hbm>>
    %dma_wait3A_86 = arith.constant 0 : i32
    %dma_wait3A_87 = tpu.memref_slice %arg4[%dma_wait3A_86] : memref<320000xi32, #tpu.memory_space<hbm>> -> memref<80xi32, #tpu.memory_space<hbm>>
    tpu.wait_dma2 semaphore(%arg15 : memref<!tpu.dma_semaphore, #tpu.memory_space<semaphore_mem>>) src(%dma_wait3A_87 : memref<80xi32, #tpu.memory_space<hbm>>) dst(%arg8 : memref<80xi32, #tpu.memory_space<vmem>>)
    "tpu.region"() ({
      %run_scoped3A = tpu.sem_alloc : memref<!tpu.dma_semaphore, #tpu.memory_space<semaphore_mem>>
      %dma_start3A_125 = arith.constant 0 : i32
      %dma_start3A_126 = arith.constant 0 : i32
      %dma_start3A_127 = tpu.memref_slice %arg12[%dma_start3A_125, %dma_start3A_126] : memref<10000x128xf32, #tpu.memory_space<vmem_shared>> -> memref<10000x128xf32, #tpu.memory_space<vmem_shared>>
      tpu.enqueue_indirect_dma source(%arg10 : memref<80x128xf32, #tpu.memory_space<vmem>>) target(%dma_start3A_127 : memref<10000x128xf32, #tpu.memory_space<vmem_shared>>) offsets(%arg8 : memref<80xi32, #tpu.memory_space<vmem>>) semaphore(%run_scoped3A : memref<!tpu.dma_semaphore, #tpu.memory_space<semaphore_mem>>) {add = true}
      %dma_wait3A_128 = arith.constant 0 : i32
      %dma_wait3A_129 = arith.constant 0 : i32
      %dma_wait3A_130 = tpu.memref_slice %arg12[%dma_wait3A_128, %dma_wait3A_129] : memref<10000x128xf32, #tpu.memory_space<vmem_shared>> -> memref<10000x128xf32, #tpu.memory_space<vmem_shared>>
      tpu.wait_indirect_dma semaphore(%run_scoped3A : memref<!tpu.dma_semaphore, #tpu.memory_space<semaphore_mem>>) src(%arg10 : memref<80x128xf32, #tpu.memory_space<vmem>>) dst(%dma_wait3A_130 : memref<10000x128xf32, #tpu.memory_space<vmem_shared>>)
      tpu.yield
    }) : () -> ()
    %dma_wait3A_88 = arith.constant 0 : i32
    %dma_wait3A_89 = arith.constant 0 : i32
    %dma_wait3A_90 = tpu.memref_slice %arg11[%dma_wait3A_88, %dma_wait3A_89] : memref<80x128xf32, #tpu.memory_space<vmem>> -> memref<40x128xf32, #tpu.memory_space<vmem>>
    %dma_wait3A_91 = arith.constant 0 : i32
    %dma_wait3A_92 = arith.constant 0 : i32
    %dma_wait3A_93 = tpu.memref_slice %arg2[%dma_wait3A_91, %dma_wait3A_92] : memref<10000x128xf32, #tpu.memory_space<hbm>> -> memref<40x128xf32, #tpu.memory_space<hbm>>
    %dma_wait3A_94 = arith.constant 0 : i32
    %dma_wait3A_95 = arith.constant 0 : i32
    %dma_wait3A_96 = tpu.memref_slice %arg11[%dma_wait3A_94, %dma_wait3A_95] : memref<80x128xf32, #tpu.memory_space<vmem>> -> memref<40x128xf32, #tpu.memory_space<vmem>>
    %dma_wait3A_97 = arith.constant 0 : i32
    %dma_wait3A_98 = arith.constant 0 : i32
    %dma_wait3A_99 = tpu.memref_slice %arg2[%dma_wait3A_97, %dma_wait3A_98] : memref<10000x128xf32, #tpu.memory_space<hbm>> -> memref<40x128xf32, #tpu.memory_space<hbm>>
    tpu.wait_dma2 semaphore(%arg14 : memref<!tpu.dma_semaphore, #tpu.memory_space<semaphore_mem>>) src(%dma_wait3A_99 : memref<40x128xf32, #tpu.memory_space<hbm>>) dst(%dma_wait3A_96 : memref<40x128xf32, #tpu.memory_space<vmem>>)
    %dma_wait3A_100 = arith.constant 40 : i32
    %dma_wait3A_101 = arith.constant 0 : i32
    %dma_wait3A_102 = tpu.memref_slice %arg11[%dma_wait3A_100, %dma_wait3A_101] : memref<80x128xf32, #tpu.memory_space<vmem>> -> memref<40x128xf32, #tpu.memory_space<vmem>>
    %dma_wait3A_103 = arith.constant 0 : i32
    %dma_wait3A_104 = arith.constant 0 : i32
    %dma_wait3A_105 = tpu.memref_slice %arg2[%dma_wait3A_103, %dma_wait3A_104] : memref<10000x128xf32, #tpu.memory_space<hbm>> -> memref<40x128xf32, #tpu.memory_space<hbm>>
    %dma_wait3A_106 = arith.constant 40 : i32
    %dma_wait3A_107 = arith.constant 0 : i32
    %dma_wait3A_108 = tpu.memref_slice %arg11[%dma_wait3A_106, %dma_wait3A_107] : memref<80x128xf32, #tpu.memory_space<vmem>> -> memref<40x128xf32, #tpu.memory_space<vmem>>
    %dma_wait3A_109 = arith.constant 0 : i32
    %dma_wait3A_110 = arith.constant 0 : i32
    %dma_wait3A_111 = tpu.memref_slice %arg2[%dma_wait3A_109, %dma_wait3A_110] : memref<10000x128xf32, #tpu.memory_space<hbm>> -> memref<40x128xf32, #tpu.memory_space<hbm>>
    tpu.wait_dma2 semaphore(%arg14 : memref<!tpu.dma_semaphore, #tpu.memory_space<semaphore_mem>>) src(%dma_wait3A_111 : memref<40x128xf32, #tpu.memory_space<hbm>>) dst(%dma_wait3A_108 : memref<40x128xf32, #tpu.memory_space<vmem>>)
    %dma_wait3A_112 = arith.constant 0 : i32
    %dma_wait3A_113 = tpu.memref_slice %arg4[%dma_wait3A_112] : memref<320000xi32, #tpu.memory_space<hbm>> -> memref<80xi32, #tpu.memory_space<hbm>>
    %dma_wait3A_114 = arith.constant 0 : i32
    %dma_wait3A_115 = tpu.memref_slice %arg4[%dma_wait3A_114] : memref<320000xi32, #tpu.memory_space<hbm>> -> memref<80xi32, #tpu.memory_space<hbm>>
    tpu.wait_dma2 semaphore(%arg16 : memref<!tpu.dma_semaphore, #tpu.memory_space<semaphore_mem>>) src(%dma_wait3A_115 : memref<80xi32, #tpu.memory_space<hbm>>) dst(%arg9 : memref<80xi32, #tpu.memory_space<vmem>>)
    %barrier3A_116 = arith.constant 0 : index
    tpu.barrier barrier_id(%barrier3A_116)
    %mul3A_117 = arith.constant 10000 : i32
    %mul3A_118 = arith.muli %arg0, %mul3A_117 : i32
    %add3A_119 = arith.addi %mul3A_118, %mul3A_2 : i32
    "tpu.region"() ({
      %run_scoped3A = tpu.sem_alloc : memref<!tpu.dma_semaphore, #tpu.memory_space<semaphore_mem>>
      %dma_start3A_125 = arith.constant 0 : i32
      %dma_start3A_126 = tpu.memref_slice %arg6[%add3A_119, %dma_start3A_125] : memref<20000x128xf32, #tpu.memory_space<hbm>> -> memref<624x128xf32, #tpu.memory_space<hbm>>
      %dma_start3A_127 = arith.constant 0 : i32
      %dma_start3A_128 = tpu.memref_slice %arg12[%mul3A_2, %dma_start3A_127] : memref<10000x128xf32, #tpu.memory_space<vmem_shared>> -> memref<624x128xf32, #tpu.memory_space<vmem_shared>>
      tpu.enqueue_dma source(%dma_start3A_128 : memref<624x128xf32, #tpu.memory_space<vmem_shared>>) target(%dma_start3A_126 : memref<624x128xf32, #tpu.memory_space<hbm>>) target_semaphore(%run_scoped3A : memref<!tpu.dma_semaphore, #tpu.memory_space<semaphore_mem>>)
      %dma_wait3A_129 = arith.constant 0 : i32
      %dma_wait3A_130 = tpu.memref_slice %arg6[%add3A_119, %dma_wait3A_129] : memref<20000x128xf32, #tpu.memory_space<hbm>> -> memref<624x128xf32, #tpu.memory_space<hbm>>
      %dma_wait3A_131 = arith.constant 0 : i32
      %dma_wait3A_132 = tpu.memref_slice %arg12[%mul3A_2, %dma_wait3A_131] : memref<10000x128xf32, #tpu.memory_space<vmem_shared>> -> memref<624x128xf32, #tpu.memory_space<vmem_shared>>
      tpu.wait_dma2 semaphore(%run_scoped3A : memref<!tpu.dma_semaphore, #tpu.memory_space<semaphore_mem>>) src(%dma_wait3A_132 : memref<624x128xf32, #tpu.memory_space<vmem_shared>>) dst(%dma_wait3A_130 : memref<624x128xf32, #tpu.memory_space<hbm>>)
      tpu.yield
    }) : () -> ()
    %eq3A_120 = arith.constant 15 : i32
    %eq3A_121 = arith.cmpi eq, %arg1, %eq3A_120 : i32
    %convert_element_type3A_122 = arith.extui %eq3A_121 : i1 to i32
    %cond3A_123 = arith.constant 0 : i32
    %cond3A_124 = arith.cmpi ne, %convert_element_type3A_122, %cond3A_123 : i32
    scf.if %cond3A_124 {
      %mul3A_125 = arith.constant 10000 : i32
      %mul3A_126 = arith.muli %arg0, %mul3A_125 : i32
      %add3A_127 = arith.constant 9984 : i32
      %add3A_128 = arith.addi %mul3A_126, %add3A_127 : i32
      "tpu.region"() ({
        %run_scoped3A = tpu.sem_alloc : memref<!tpu.dma_semaphore, #tpu.memory_space<semaphore_mem>>
        %dma_start3A_129 = arith.constant 0 : i32
        %dma_start3A_130 = tpu.memref_slice %arg6[%add3A_128, %dma_start3A_129] : memref<20000x128xf32, #tpu.memory_space<hbm>> -> memref<16x128xf32, #tpu.memory_space<hbm>>
        %dma_start3A_131 = arith.constant 9984 : i32
        %dma_start3A_132 = arith.constant 0 : i32
        %dma_start3A_133 = tpu.memref_slice %arg12[%dma_start3A_131, %dma_start3A_132] : memref<10000x128xf32, #tpu.memory_space<vmem_shared>> -> memref<16x128xf32, #tpu.memory_space<vmem_shared>>
        tpu.enqueue_dma source(%dma_start3A_133 : memref<16x128xf32, #tpu.memory_space<vmem_shared>>) target(%dma_start3A_130 : memref<16x128xf32, #tpu.memory_space<hbm>>) target_semaphore(%run_scoped3A : memref<!tpu.dma_semaphore, #tpu.memory_space<semaphore_mem>>)
        %dma_wait3A_134 = arith.constant 0 : i32
        %dma_wait3A_135 = tpu.memref_slice %arg6[%add3A_128, %dma_wait3A_134] : memref<20000x128xf32, #tpu.memory_space<hbm>> -> memref<16x128xf32, #tpu.memory_space<hbm>>
        %dma_wait3A_136 = arith.constant 9984 : i32
        %dma_wait3A_137 = arith.constant 0 : i32
        %dma_wait3A_138 = tpu.memref_slice %arg12[%dma_wait3A_136, %dma_wait3A_137] : memref<10000x128xf32, #tpu.memory_space<vmem_shared>> -> memref<16x128xf32, #tpu.memory_space<vmem_shared>>
        tpu.wait_dma2 semaphore(%run_scoped3A : memref<!tpu.dma_semaphore, #tpu.memory_space<semaphore_mem>>) src(%dma_wait3A_138 : memref<16x128xf32, #tpu.memory_space<vmem_shared>>) dst(%dma_wait3A_135 : memref<16x128xf32, #tpu.memory_space<hbm>>)
        tpu.yield
      }) : () -> ()
    } else {
    }
    return
  }
}

module attributes {stable_mosaic.version = 14 : i64} {
  func.func @_mlp_body(%arg0: i32, %arg1: memref<1xf32, #tpu.memory_space<smem>>, %arg2: memref<2000x128xf32, #tpu.memory_space<vmem>>, %arg3: memref<2000x128xf32, #tpu.memory_space<vmem>>, %arg4: memref<2000x128xf32, #tpu.memory_space<vmem>>, %arg5: memref<128x128xf32, #tpu.memory_space<vmem>>, %arg6: memref<1x128xf32, #tpu.memory_space<vmem>>, %arg7: memref<128x128xf32, #tpu.memory_space<vmem>>, %arg8: memref<1x128xf32, #tpu.memory_space<vmem>>, %arg9: memref<2000x128xf32, #tpu.memory_space<vmem>>) attributes {dimension_semantics = [#tpu.dimension_semantics<arbitrary>], iteration_bounds = array<i64: 5>, scalar_prefetch = 0 : i64, scratch_operands = 0 : i64, tpu.core_type = #tpu.core_type<tc>, window_params = [{transform_indices = @transform_0, window_bounds = array<i64: 1>}, {transform_indices = @transform_1, window_bounds = array<i64: 2000, 128>}, {transform_indices = @transform_2, window_bounds = array<i64: 2000, 128>}, {transform_indices = @transform_3, window_bounds = array<i64: 2000, 128>}, {pipeline_mode = #tpu.pipeline_mode<synchronous>, transform_indices = @transform_4, window_bounds = array<i64: 128, 128>}, {pipeline_mode = #tpu.pipeline_mode<synchronous>, transform_indices = @transform_5, window_bounds = array<i64: 1, 128>}, {pipeline_mode = #tpu.pipeline_mode<synchronous>, transform_indices = @transform_6, window_bounds = array<i64: 128, 128>}, {pipeline_mode = #tpu.pipeline_mode<synchronous>, transform_indices = @transform_7, window_bounds = array<i64: 1, 128>}, {transform_indices = @transform_8, window_bounds = array<i64: 2000, 128>}]} {
    %get3A = arith.constant 0 : index
    %get3A_0 = arith.constant 0 : index
    %get3A_1 = vector.load %arg2[%get3A, %get3A_0] : memref<2000x128xf32, #tpu.memory_space<vmem>>, vector<2000x128xf32>
    %get3A_2 = arith.constant 0 : index
    %get3A_3 = memref.load %arg1[%get3A_2] : memref<1xf32, #tpu.memory_space<smem>>
    %mul3A = vector.broadcast %get3A_3 : f32 to vector<2000x128xf32>
    %mul3A_4 = arith.mulf %get3A_1, %mul3A : vector<2000x128xf32>
    %get3A_5 = arith.constant 0 : index
    %get3A_6 = arith.constant 0 : index
    %get3A_7 = vector.load %arg3[%get3A_5, %get3A_6] : memref<2000x128xf32, #tpu.memory_space<vmem>>, vector<2000x128xf32>
    %add3A = arith.addf %mul3A_4, %get3A_7 : vector<2000x128xf32>
    %get3A_8 = arith.constant 0 : index
    %get3A_9 = arith.constant 0 : index
    %get3A_10 = vector.load %arg4[%get3A_8, %get3A_9] : memref<2000x128xf32, #tpu.memory_space<vmem>>, vector<2000x128xf32>
    %add3A_11 = arith.addf %add3A, %get3A_10 : vector<2000x128xf32>
    %get3A_12 = arith.constant 0 : index
    %get3A_13 = arith.constant 0 : index
    %get3A_14 = vector.load %arg5[%get3A_12, %get3A_13] : memref<128x128xf32, #tpu.memory_space<vmem>>, vector<128x128xf32>
    %dot_general3A = arith.constant dense<0.000000e+00> : vector<2000x128xf32>
    %dot_general3A_15 = tpu.matmul %add3A_11, %get3A_14, %dot_general3A {dimension_numbers = #tpu.dot_dimension_numbers<[1], [0], [0], [1], [0, 0, 1, 1], [], []>, transpose_lhs_hint = false} : vector<2000x128xf32>, vector<128x128xf32>, vector<2000x128xf32> -> vector<2000x128xf32>
    %get3A_16 = arith.constant 0 : index
    %get3A_17 = arith.constant 0 : index
    %get3A_18 = vector.load %arg6[%get3A_16, %get3A_17] : memref<1x128xf32, #tpu.memory_space<vmem>>, vector<1x128xf32>
    %add3A_19 = vector.broadcast %get3A_18 : vector<1x128xf32> to vector<2000x128xf32>
    %add3A_20 = arith.addf %dot_general3A_15, %add3A_19 : vector<2000x128xf32>
    %gt3A = arith.constant 0.000000e+00 : f32
    %gt3A_21 = vector.broadcast %gt3A : f32 to vector<2000x128xf32>
    %gt3A_22 = arith.cmpf ogt, %add3A_20, %gt3A_21 : vector<2000x128xf32>
    %mul3A_23 = arith.constant 0.00999999977 : f32
    %mul3A_24 = vector.broadcast %mul3A_23 : f32 to vector<2000x128xf32>
    %mul3A_25 = arith.mulf %mul3A_24, %add3A_20 : vector<2000x128xf32>
    %select_n3A = arith.select %gt3A_22, %add3A_20, %mul3A_25 : vector<2000x128xi1>, vector<2000x128xf32>
    %get3A_26 = arith.constant 0 : index
    %get3A_27 = arith.constant 0 : index
    %get3A_28 = vector.load %arg7[%get3A_26, %get3A_27] : memref<128x128xf32, #tpu.memory_space<vmem>>, vector<128x128xf32>
    %dot_general3A_29 = arith.constant dense<0.000000e+00> : vector<2000x128xf32>
    %dot_general3A_30 = tpu.matmul %select_n3A, %get3A_28, %dot_general3A_29 {dimension_numbers = #tpu.dot_dimension_numbers<[1], [0], [0], [1], [0, 0, 1, 1], [], []>, transpose_lhs_hint = false} : vector<2000x128xf32>, vector<128x128xf32>, vector<2000x128xf32> -> vector<2000x128xf32>
    %get3A_31 = arith.constant 0 : index
    %get3A_32 = arith.constant 0 : index
    %get3A_33 = vector.load %arg8[%get3A_31, %get3A_32] : memref<1x128xf32, #tpu.memory_space<vmem>>, vector<1x128xf32>
    %add3A_34 = vector.broadcast %get3A_33 : vector<1x128xf32> to vector<2000x128xf32>
    %add3A_35 = arith.addf %dot_general3A_30, %add3A_34 : vector<2000x128xf32>
    %gt3A_36 = arith.constant 0.000000e+00 : f32
    %gt3A_37 = vector.broadcast %gt3A_36 : f32 to vector<2000x128xf32>
    %gt3A_38 = arith.cmpf ogt, %add3A_35, %gt3A_37 : vector<2000x128xf32>
    %mul3A_39 = arith.constant 0.00999999977 : f32
    %mul3A_40 = vector.broadcast %mul3A_39 : f32 to vector<2000x128xf32>
    %mul3A_41 = arith.mulf %mul3A_40, %add3A_35 : vector<2000x128xf32>
    %select_n3A_42 = arith.select %gt3A_38, %add3A_35, %mul3A_41 : vector<2000x128xi1>, vector<2000x128xf32>
    %swap3A = arith.constant 0 : index
    %swap3A_43 = arith.constant 0 : index
    %swap3A_44 = vector.load %arg9[%swap3A, %swap3A_43] : memref<2000x128xf32, #tpu.memory_space<vmem>>, vector<2000x128xf32>
    tpu.vector_store %arg9[%swap3A, %swap3A_43], %select_n3A_42 {strides = array<i32>} : memref<2000x128xf32, #tpu.memory_space<vmem>>, vector<2000x128xf32>,
    return
  }
  func.func @transform_0(%arg0: i32) -> i32 {
    %c0_i32 = arith.constant 0 : i32
    %c0_i32_0 = arith.constant 0 : i32
    return %c0_i32 : i32
  }
  func.func @transform_1(%arg0: i32) -> (i32, i32) {
    %c0_i32 = arith.constant 0 : i32
    %c0_i32_0 = arith.constant 0 : i32
    return %arg0, %c0_i32 : i32, i32
  }
  func.func @transform_2(%arg0: i32) -> (i32, i32) {
    %c0_i32 = arith.constant 0 : i32
    %c0_i32_0 = arith.constant 0 : i32
    return %arg0, %c0_i32 : i32, i32
  }
  func.func @transform_3(%arg0: i32) -> (i32, i32) {
    %add3A = arith.constant 5 : i32
    %add3A_0 = arith.addi %arg0, %add3A : i32
    %c0_i32 = arith.constant 0 : i32
    %c0_i32_1 = arith.constant 0 : i32
    return %add3A_0, %c0_i32 : i32, i32
  }
  func.func @transform_4(%arg0: i32) -> (i32, i32) {
    %c0_i32 = arith.constant 0 : i32
    %c0_i32_0 = arith.constant 0 : i32
    %c0_i32_1 = arith.constant 0 : i32
    return %c0_i32, %c0_i32_0 : i32, i32
  }
  func.func @transform_5(%arg0: i32) -> (i32, i32) {
    %c0_i32 = arith.constant 0 : i32
    %c0_i32_0 = arith.constant 0 : i32
    %c0_i32_1 = arith.constant 0 : i32
    return %c0_i32, %c0_i32_0 : i32, i32
  }
  func.func @transform_6(%arg0: i32) -> (i32, i32) {
    %c0_i32 = arith.constant 0 : i32
    %c0_i32_0 = arith.constant 0 : i32
    %c0_i32_1 = arith.constant 0 : i32
    return %c0_i32, %c0_i32_0 : i32, i32
  }
  func.func @transform_7(%arg0: i32) -> (i32, i32) {
    %c0_i32 = arith.constant 0 : i32
    %c0_i32_0 = arith.constant 0 : i32
    %c0_i32_1 = arith.constant 0 : i32
    return %c0_i32, %c0_i32_0 : i32, i32
  }
  func.func @transform_8(%arg0: i32) -> (i32, i32) {
    %c0_i32 = arith.constant 0 : i32
    %c0_i32_0 = arith.constant 0 : i32
    return %arg0, %c0_i32 : i32, i32
  }
}

</mosaic_0001>

<sc_bundles>
// kernel: kernel.4.cloned.1.call-start
scs
__scs_entry_jumppad:
0x0: {  	(pc) =	sbr.rel $0x88, $3  }
0x1: {  	(tag) =	ssettag $0x0;
	lr =	simm.s32 $0x1  }
0x2: {  	[smem:$0x3F9A] =	sst lr;
	_ =	strace $0xD0000000  }
0x3: {  	_ = 	snop  }
0x4: {  	_ = 	snop  }
0x5: {  	_ = 	snop  }
0x6: {  	_ = 	snop  }
0x7: {  	_ = 	snop  }
__scs_overlays_trampoline_lowered:
0x8: {  	[smem:$0x3FA9] =	sst s0  }
0x9: {  	[smem:$0x3FAA] =	sst s1  }
0xa: {  	[smem:$0x3FAB] =	sst s2  }
0xb: {  	[smem:$0x3FAC] =	sst s3  }
0xc: {  	[smem:$0x3FAD] =	sst s4  }
0xd: {  	[smem:$0x3FAE] =	sst s5  }
0xe: {  	[smem:$0x3FAF] =	sst s6  }
0xf: {  	[smem:$0x3FB0] =	sst s7  }
0x10: {  	[smem:$0x3FB1] =	sst s8  }
0x11: {  	[smem:$0x3FB2] =	sst s9;
	s0 =	simm.s32 @!p0 $0x0  }
0x12: {  	s1 =	sld [smem:$0x3F98];
	s0 =	simm.s32 @p0 $0x1  }
0x13: {  	[smem:$0x3FB3] =	sst s0;
	s0 =	simm.s32 @!p1 $0x0  }
0x14: {  	s2 =	sld [smem:$0x3F97];
	s0 =	simm.s32 @p1 $0x1  }
0x15: {  	[smem:$0x3FB4] =	sst s0;
	s0 =	simm.s32 @!p2 $0x0  }
0x16: {  	s3 =	sld [smem:$0x3FDB];
	s0 =	simm.s32 @p2 $0x1  }
0x17: {  	s4 =	simm.s32 $0x1BF5;
	[smem:$0x3FB6] =	sst s0  }
0x18: {  	s0 =	sld [smem:$0x3F99];
	_ =	swait.ge [sflag:s4], $0x0  }
0x19: {  	s7 =	sld [smem:$0x3F9A]  }
0x1a: {  	s8 =	sadd.s32 $0xFFFFE003, lr  }
0x1b: {  	s9 =	sadd.s32 $0xFFFFFEF7, lr;
	s5 =	simm.s32 $0xFFFFFFFF;
	p2 =	slt.u32 s8, $0xFFFFF086  }
0x1c: {  	p1 =	slt.u32 s9, $0xF7A;
	s5 =	simm.s32 @!p2 $0x0  }
0x1d: {  	s5 =	simm.s32 @p1 $0x1;
	p0 =	seq.s32 s7, s2  }
0x1e: {  	s7 =	smul.u32 @!p0 $0xF7A, s2;
	p2 =	seq.s32 @!p0 s5, $0x0  }
0x1f: {  	s9 =	smul.u32 $0xF7A, s1;
	s8 =	simm.s32 @!p0 $0x1BF5;
	p2 =	por !p2, p0  }
0x20: {  	[sflag:s8] =	ssyncset.s32 @!p0 $0xFFFFF086;
	s6 =	sadd.s32 @!p0 s3, s7;
	s7 =	simm.s32 @!p0 $0x108  }
0x21: {  	s3 =	sadd.s32 s3, s9;
	s6 =	sadd.s32 @!p0 $0x88, s6;
	s7 =	simm.s32 @p2 $0x1082  }
0x22: {  	[simem:s7], [sflag:s8] =	dma.local @!p0 [hbm:s6], $0xF7A  }
0x23: {  	s9 =	sor.u32 $0xD0000000, s2;
	s6 =	simm.s32 $0x108;
	_ =	swait.ge @!p0 [sflag:s8], $0x0  }
0x24: {  	s3 =	sadd.s32 $0x88, s3;
	s6 =	simm.s32 @!p1 $0x1082;
	[sflag:s4] =	ssyncset.s32 $0xFFFFF086  }
0x25: {  	[simem:s6], [sflag:s4] =	dma.local [hbm:s3], $0xF7A  }
0x26: {  	[smem:$0x3F9A] =	sst s1;
	(tag) =	ssettag s2;
	_ =	strace s9  }
0x27: {  	s1 =	sld [smem:$0x3FAA]  }
0x28: {  	s2 =	sld [smem:$0x3FAB]  }
0x29: {  	s4 =	sld [smem:$0x3FAD]  }
0x2a: {  	p0 =	seq.s32 s5, $0x0;
	s5 =	sld [smem:$0x3FAE]  }
0x2b: {  	s6 =	sld [smem:$0x3FAF]  }
0x2c: {  	s7 =	sld [smem:$0x3FB0]  }
0x2d: {  	s3 =	simm.s32 $0x108;
	s8 =	sld [smem:$0x3FB1]  }
0x2e: {  	s3 =	simm.s32 @!p0 $0x1082;
	s9 =	sld [smem:$0x3FB2]  }
0x2f: {  	lr =	sadd.s32 s0, s3;
	s0 =	sld [smem:$0x3FA9]  }
0x30: {  	s3 =	sld [smem:$0x3FAC]  }
0x31: {  	[smem:$0x3FB5] =	sst s10  }
0x32: {  	s10 =	sld [smem:$0x3FB3];
	_ =	sdelay $0x3  }
0x33: {  	p0 =	seq.s32 s10, $0x1;
	s10 =	sld [smem:$0x3FB5];
	_ =	sdelay $0x3  }
0x34: {  	[smem:$0x3FB5] =	sst s10  }
0x35: {  	s10 =	sld [smem:$0x3FB4];
	_ =	sdelay $0x3  }
0x36: {  	p1 =	seq.s32 s10, $0x1;
	s10 =	sld [smem:$0x3FB5];
	_ =	sdelay $0x3  }
0x37: {  	[smem:$0x3FB5] =	sst s10  }
0x38: {  	s10 =	sld [smem:$0x3FB6]  }
0x39: {  	_ = 	snop;
	(pc) =	sbr.ind lr, $3  }
0x3a: {  	_ = 	snop  }
0x3b: {  	_ = 	snop  }
0x3c: {  	p2 =	seq.s32 s10, $0x1;
	s10 =	sld [smem:$0x3FB5]  }
0x3d: {  	_ =	shalt  }
0x3e: {  	_ =	shalt  }
0x3f: {  	_ =	shalt  }
0x40: {  	_ =	shalt  }
0x41: {  	_ =	shalt  }
0x42: {  	_ =	shalt  }
0x43: {  	_ =	shalt  }
0x44: {  	_ =	shalt  }
0x45: {  	_ =	shalt  }
0x46: {  	_ =	shalt  }
0x47: {  	_ =	shalt  }
0x48: {  	_ =	shalt  }
0x49: {  	_ =	shalt  }
0x4a: {  	_ =	shalt  }
0x4b: {  	_ =	shalt  }
0x4c: {  	_ =	shalt  }
0x4d: {  	_ =	shalt  }
0x4e: {  	_ =	shalt  }
0x4f: {  	_ =	shalt  }
0x50: {  	_ =	shalt  }
0x51: {  	_ =	shalt  }
0x52: {  	_ =	shalt  }
0x53: {  	_ =	shalt  }
0x54: {  	_ =	shalt  }
0x55: {  	_ =	shalt  }
0x56: {  	_ =	shalt  }
0x57: {  	_ =	shalt  }
0x58: {  	_ =	shalt  }
0x59: {  	_ =	shalt  }
0x5a: {  	_ =	shalt  }
0x5b: {  	_ =	shalt  }
0x5c: {  	_ =	shalt  }
0x5d: {  	_ =	shalt  }
0x5e: {  	_ =	shalt  }
0x5f: {  	_ =	shalt  }
0x60: {  	_ =	shalt  }
0x61: {  	_ =	shalt  }
0x62: {  	_ =	shalt  }
0x63: {  	_ =	shalt  }
0x64: {  	_ =	shalt  }
0x65: {  	_ =	shalt  }
0x66: {  	_ =	shalt  }
0x67: {  	_ =	shalt  }
0x68: {  	_ =	shalt  }
0x69: {  	_ =	shalt  }
0x6a: {  	_ =	shalt  }
0x6b: {  	_ =	shalt  }
0x6c: {  	_ =	shalt  }
0x6d: {  	_ =	shalt  }
0x6e: {  	_ =	shalt  }
0x6f: {  	_ =	shalt  }
0x70: {  	_ =	shalt  }
0x71: {  	_ =	shalt  }
0x72: {  	_ =	shalt  }
0x73: {  	_ =	shalt  }
0x74: {  	_ =	shalt  }
0x75: {  	_ =	shalt  }
0x76: {  	_ =	shalt  }
0x77: {  	_ =	shalt  }
0x78: {  	_ =	shalt  }
0x79: {  	_ =	shalt  }
0x7a: {  	_ =	shalt  }
0x7b: {  	_ =	shalt  }
0x7c: {  	_ =	shalt  }
0x7d: {  	_ =	shalt  }
0x7e: {  	_ =	shalt  }
0x7f: {  	_ =	shalt  }
0x80: {  	_ =	shalt  }
0x81: {  	_ =	shalt  }
0x82: {  	_ =	shalt  }
0x83: {  	_ =	shalt  }
0x84: {  	_ =	shalt  }
0x85: {  	_ =	shalt  }
0x86: {  	_ =	shalt  }
0x87: {  	_ =	shalt  }
.Lfunc_end0:
.L_simem_size_0:
called_computation_lowered:
.L_overlay_start_0:
0x88: {  	s2 =	sld [smem:$0x3FD9]  }
0x89: {  	s3 =	sld [smem:$0x3FFE];
	_ =	sdelay $0x1  }
0x8a: {  	s1 =	srdreg.scid  }
0x8b: {  	s0 =	sand.u32 $0x1, s1  }
0x8c: {  	s17 =	sshll.u32 s0, $0xA;
	s2 =	sadd.s32 s3, s2  }
0x8d: {  	s2 =	sadd.s32 s2, s17  }
0x8e: {  	[smem:$0x3FC1] =	sst s2  }
0x8f: {  	_ = 	snop  }
0x90: {  	s2 =	sld [smem:$0x3FC9]  }
0x91: {  	s18 =	sld [smem:$0x3FD0];
	(tm) =	ssettm $0x1  }
0x92: {  	s4 =	sld [smem:$0x3FFB];
	_ =	sdelay $0x3  }
0x93: {  	_ =	strace s4  }
0x94: {  	s4 =	sld [smem:$0x3FFC];
	_ =	sdelay $0x3  }
0x95: {  	_ =	strace s4  }
0x96: {  	s4 =	sld [smem:$0x3FFD];
	_ =	sdelay $0x3  }
0x97: {  	_ =	strace s4  }
0x98: {  	_ =	strace $0x8FFFFFFF  }
0x99: {  	s19 =	sld [smem:$0x3FDB];
	_ =	sdelay $0x1  }
0x9a: {  	s5 =	simm.s32 $_scs_section_size  }
0x9b: {  	s6 =	simm.s32 $_size__tile_overlayer_lowered;
	s7 =	simm.s32 $_tile_overlayer_lowered  }
0x9c: {  	s22 =	simm.s32 $0x1BFF;
	s21 =	sshll.u32 s7, $0x1;
	s4 =	sadd.s32 s5, s19  }
0x9d: {  	s8 =	simm.s32 $0x0;
	s20 =	sshll.u32 s6, $0x1;
	s6 =	sadd.s32 s21, s4  }
0x9e: {  	[timem:s8], [sflag:s22] =	dma.local [hbm:s6], s20  }
0x9f: {  	_ =	swait.ge [sflag:s22], s20  }
0xa0: {  	s5 =	ssub.s32 $0x0, s20;
	[sflag:s22] =	ssyncset.done $0x0  }
0xa1: {  	[sflag:s22] =	ssyncadd.s32 s5;
	_ =	sdelay $0x1  }
0xa2: {  	s23 =	simm.s32 $0x1B8B  }
0xa3: {  	_ =	swait.ge [sflag:s23], $0x1  }
0xa4: {  	[sflag:s23] =	ssyncset.done $0x0  }
0xa5: {  	s25 =	simm.s32 $0x1B8E;
	s24 =	sld [smem:$0x3FFE];
	[sflag:s23] =	ssyncadd.s32 $0xFFFFFFFF  }
0xa6: {  	s26 =	simm.s32 $execute0_lowered;
	[smem:$0x3FD2] =	sst s25  }
0xa7: {  	s6 =	sshll.u32 s26, $0x1;
	_ =	strace $0x80000046;
	[dreg:$0x1] =	wrdreg $0xFFFFFFFF  }
0xa8: {  	s28 =	simm.s32 $_size_execute0_lowered;
	s4 =	sadd.s32 s4, s6;
	[dreg:$0x0] =	wrdreg $0x0  }
0xa9: {  	s6 =	sshll.u32 s28, $0x1;
	[dreg:$0x2] =	wrdreg s4  }
0xaa: {  	[dreg:$0x3] =	wrdreg s6  }
0xab: {  	[dreg:$0x4] =	wrdreg $0xC0  }
0xac: {  	_ =	task [dreg:s8], $0x5FFFF  }
0xad: {  	[dreg:$0x1] =	wrdreg $0xFFFFFFFF  }
0xae: {  	[dreg:$0x0] =	wrdreg $0x60  }
0xaf: {  	[dreg:$0x2] =	wrdreg s2  }
0xb0: {  	[dreg:$0x3] =	wrdreg s18  }
0xb1: {  	[dreg:$0x4] =	wrdreg s24  }
0xb2: {  	[dreg:$0x5] =	wrdreg $0x91000  }
0xb3: {  	[dreg:$0x6] =	wrdreg $0x9  }
0xb4: {  	_ =	task.clear_ibuf [dreg:s8], $0x7FFFF;
	_ =	strace $0x90000046  }
0xb5: {  	s29 =	simm.s32 $0x9;
	_ =	strace $0x80000048  }
0xb6: {  	_ =	swait.ge [sflag:s29], $0x1  }
0xb7: {  	[sflag:s29] =	ssyncadd.s32 $0xFFFFFFFF  }
0xb8: {  	_ =	strace $0x90000048  }
0xb9: {  	_ =	sfence  }
0xba: {  	s30 =	sld [smem:$0x0];
	_ =	sdelay $0x2  }
0xbb: {  	s31 =	sshll.u32 s1, $0xD;
	s1 =	sshrl.u32 s1, $0x2  }
0xbc: {  	s3 =	sand.u32 $0x4000, s31;
	s1 =	sadd.s32 s1, s30  }
0xbd: {  	s0 =	sor.u32 s3, s0;
	s1 =	sshll.u32 s1, $0x11  }
0xbe: {  	s0 =	sor.u32 s1, s0  }
0xbf: {  	s0 =	sadd.s32 $0x8F2B, s0  }
0xc0: {  	[sflag:s0] =	ssyncadd.remote.s32 $0x1  }
0xc1: {  	_ =	sfence.sel $0xFFFF  }
0xc2: {  	[dreg:$0x0] =	wrdreg $0xFFFFFFFF;
	(pc) =	sbr.abs _section_cstart, $3  }
0xc3: {  	[dreg:$0x1] =	wrdreg $0xFFFFFFFF  }
0xc4: {  	_ =	task.clear_ibuf [dreg:s8], $0x2FFFF;
	_ =	strace $0x9FFFFFFF  }
0xc5: {  	(tm) =	ssettm $0x7FFFFFFF  }
tec
execute0_lowered:
.L_overlay_start_1:
0x0: {  	(tag) =	ssettag $0x1  }
0x1: {  	s1 =	rddreg [dreg:$0x0]  }
0x2: {  	s0 =	rddreg [dreg:$0x1]  }
0x3: {  	s2 =	rddreg [dreg:$0x2]  }
0x4: {  	s3 =	rddreg [dreg:$0x3]  }
0x5: {  	s4 =	simm.s32 $0x0;
	s5 =	srdreg.scid;
	s18 =	stileid.u32  }
0x6: {  	s28 =	simm.s32 $0x7D00;
	s29 =	simm.s32 $0x1;
	s30 =	simm.s32 $0x3  }
0x7: {  	s31 =	simm.s32 $0x50;
	[smem:$0x7FF] =	sst s4;
	s7 =	sand.u32 $0x1, s5  }
0x8: {  	s17 =	sshll.u32 s18, $0x1;
	s9 =	smul.u32 $0x2700, s18;
	s5 =	sadd.s32 $0xE00, s2  }
0x9: {  	s6 =	sadd.s32 $0xAC00, s2;
	s13 =	smul.u32 $0x4E000, s18;
	s2 =	sadd.s32 $0xD400, s2  }
0xa: {  	s20 =	smul.u32 $0x4E20, s18;
	s22 =	sadd.s32 $0x138000, s3;
	p0 =	sne.s32 s18, $0xF  }
0xb: {  	s18 =	simm.s32 $0x5;
	_ =	strace $0x80000047;
	s19 =	smul.u32 $0x27100, s7  }
0xc: {  	s8 =	sor.u32 s7, s17;
	s10 =	ssub.s32 $0x2, s7;
	s14 =	smul.u32 $0x138800, s7  }
0xd: {  	s7 =	smul.u32 $0x2710, s7;
	[dreg:$0x8] =	wrdreg s22;
	s22 =	simm.s32 $0x5500  }
0xe: {  	s11 =	smul.u32 $0x2710, s8;
	s12 =	sshrl.u32 s10, $0x1;
	s8 =	sshll.u32 s8, $0xB  }
0xf: {  	s21 =	sshrl.u32 s13, $0x2;
	s10 =	ssub.s32 s10, s12;
	s0 =	sadd.s32 s0, s8  }
0x10: {  	s23 =	sshrl.u32 s14, $0x3;
	s9 =	sadd.s32 s9, s19;
	s19 =	simm.s32 $0x4000  }
0x11: {  	s11 =	sshrl.u32 s11, $0x3;
	[dreg:$0x5] =	wrdreg s0;
	s0 =	sadd.s32 s7, s20  }
0x12: {  	s26 =	smax.u32 s10, $0x1;
	s20 =	simm.s32 $0x28;
	s8 =	sadd.s32 s5, s11  }
0x13: {  	s25 =	sadd.s32 $0xF0, s0;
	[dreg:$0xb] =	wrdreg s26;
	s17 =	sadd.s32 $0xA0, s0  }
0x14: {  	s0 =	simm.s32 $0x2;
	s11 =	sadd.s32 $0xA, s8;
	s15 =	sadd.s32 $0x4D8, s8  }
0x15: {  	[dreg:$0x6] =	wrdreg s11;
	s11 =	sadd.s32 s21, s3;
	s21 =	simm.s32 $0x4100  }
0x16: {  	[dreg:$0x7] =	wrdreg s11;
	s11 =	sadd.s32 s2, s23;
	s2 =	sadd.s32 s2, s9  }
0x17: {  	s23 =	simm.s32 $0x4080;
	[dreg:$0x9] =	wrdreg s2;
	s24 =	sadd.s32 $0x27000, s11  }
0x18: {  	s2 =	sshrl.u32 s25, $0x3;
	s25 =	simm.s32 $0x6900;
	[dreg:$0xa] =	wrdreg s24  }
0x19: {  	s16 =	sadd.s32 s2, s5;
	s2 =	simm.s32 $0x4;
	s24 =	simm.s32 $0x0  }
.LBB2_1:
0x1a: {  	s7 =	rddreg [dreg:$0x5]  }
0x1b: {  	[tilespmem:s4], [sflag:$0x5] =	stream.linear.gather [hbm4b:s7+s4], $0x3E80, $0x38;
	[tilespmem:$0x1C980] =	vst v63  }
0x1c: {  	_ =	swait.ge [sflag:s18], $0x3E80  }
0x1d: {  	[sflag:s18] =	ssyncset.done $0x0  }
0x1e: {  	[sflag:s18] =	ssyncadd.s32 $0xFFFFC180  }
0x1f: {  	[tilespmem:s19], [sflag:$0x3] =	stream.linear.gather [hbm4b:s8+s4], $0x50, $0x38;
	[tilespmem:$0x1C980] =	vst v63  }
0x20: {  	_ = 	snop  }
0x21: {  	[tilespmem:s21], [sflag:$0x1] =	stream.indirect.gather [hbm4b:s1+s20], $0x80, s4, s20, $0xb8;
	[tilespmem:$0x1C980] =	vst v63  }
0x22: {  	_ = 	snop  }
0x23: {  	[tilespmem:s22], [sflag:$0x1] =	stream.indirect.gather [hbm4b:s1+s20], $0x80, s20, s20, $0xb8;
	[tilespmem:$0x1C980] =	vst v63  }
0x24: {  	s13 =	rddreg [dreg:$0x6]  }
0x25: {  	[tilespmem:s23], [sflag:$0x4] =	stream.linear.gather [hbm4b:s13+s4], $0x50, $0x38;
	[tilespmem:$0x1C980] =	vst v63  }
0x26: {  	s14 =	simm.s32 $0x80;
	s9 =	stileid.u32  }
0x27: {  	[tilespmem:s25], [sflag:$0x2] =	stream.indirect.gather [hbm4b:s1+s20], $0x80, s14, s20, $0xb8;
	[tilespmem:$0x1C980] =	vst v63  }
0x28: {  	s26 =	simm.s32 $0xA8;
	s7 =	sshll.u32 s9, $0x6;
	s10 =	rddreg [dreg:$0x7]  }
0x29: {  	[tilespmem:s28], [sflag:$0x2] =	stream.indirect.gather [hbm4b:s1+s20], $0x80, s26, s20, $0xb8;
	[tilespmem:$0x1C980] =	vst v63  }
0x2a: {  	s26 =	sor.u32 $0x1C05, s7;
	s7 =	sshrl.u32 s10, $0x3  }
0x2b: {  	[spmem:s7], [sflag:s26] =	dma.local [hbm:s6], $0x2700  }
0x2c: {  	_ =	swait.ge [sflag:s18], $0x2700  }
0x2d: {  	[sflag:s18] =	ssyncset.done $0x0;
	s9 =	rddreg [dreg:$0x8]  }
0x2e: {  	s10 =	simm.s32 @!p0 $0x5;
	[sflag:s18] =	ssyncadd.s32 $0xFFFFD900;
	s9 =	sshrl.u32 @!p0 s9, $0x3  }
0x2f: {  	[spmem:s9], [sflag:s26] =	dma.local @!p0 [hbm:s6], $0x100  }
0x30: {  	_ =	swait.ge @!p0 [sflag:s10], $0x100  }
0x31: {  	[sflag:s10] =	ssyncset.done @!p0 $0x0  }
0x32: {  	[sflag:s10] =	ssyncadd.s32 @!p0 $0xFFFFFF00  }
0x33: {  	[bflag:$0x0] =	sbarrier.arrive $0xFFFF  }
0x34: {  	_ =	swait.ge [sflag:s29], $0x1400  }
0x35: {  	[sflag:s29] =	ssyncset.done $0x0  }
0x36: {  	[sflag:s29] =	ssyncadd.s32 $0xFFFFEC00  }
0x37: {  	_ =	swait.ge [sflag:s29], $0x1400  }
0x38: {  	[sflag:s29] =	ssyncset.done $0x0  }
0x39: {  	[sflag:s29] =	ssyncadd.s32 $0xFFFFEC00  }
0x3a: {  	_ =	swait.ge [sflag:s30], $0x50  }
0x3b: {  	[sflag:s30] =	ssyncset.done $0x0  }
0x3c: {  	[sflag:s30] =	ssyncadd.s32 $0xFFFFFFB0  }
0x3d: {  	[spmem:s3] =	stream.indirect.scatter.add.f32 [tilespmem:s21], [sflag:$0x5], $0x80, s19, s31, $0xb8;
	[tilespmem:$0x1C980] =	vst v63  }
0x3e: {  	_ =	swait.ge [sflag:s18], $0x2800  }
0x3f: {  	s11 =	sshrl.u32 s17, $0x3;
	[sflag:s18] =	ssyncset.done $0x0  }
0x40: {  	s10 =	sadd.s32 s5, s11;
	[sflag:s18] =	ssyncadd.s32 $0xFFFFD800  }
0x41: {  	[tilespmem:s19], [sflag:$0x3] =	stream.linear.gather [hbm4b:s10+s4], $0x50, $0x38;
	[tilespmem:$0x1C980] =	vst v63  }
0x42: {  	s12 =	simm.s32 $0x100  }
0x43: {  	[tilespmem:s21], [sflag:$0x1] =	stream.indirect.gather [hbm4b:s1+s20], $0x80, s12, s20, $0xb8;
	[tilespmem:$0x1C980] =	vst v63  }
0x44: {  	s13 =	simm.s32 $0x128  }
0x45: {  	[tilespmem:s22], [sflag:$0x1] =	stream.indirect.gather [hbm4b:s1+s20], $0x80, s13, s20, $0xb8;
	[tilespmem:$0x1C980] =	vst v63  }
0x46: {  	_ =	swait.ge [sflag:s0], $0x1400  }
0x47: {  	[sflag:s0] =	ssyncset.done $0x0  }
0x48: {  	[sflag:s0] =	ssyncadd.s32 $0xFFFFEC00  }
0x49: {  	_ =	swait.ge [sflag:s0], $0x1400  }
0x4a: {  	[sflag:s0] =	ssyncset.done $0x0  }
0x4b: {  	[sflag:s0] =	ssyncadd.s32 $0xFFFFEC00  }
0x4c: {  	_ =	swait.ge [sflag:s2], $0x50  }
0x4d: {  	[sflag:s2] =	ssyncset.done $0x0  }
0x4e: {  	[sflag:s2] =	ssyncadd.s32 $0xFFFFFFB0  }
0x4f: {  	[spmem:s3] =	stream.indirect.scatter.add.f32 [tilespmem:s25], [sflag:$0x5], $0x80, s23, s31, $0xb8;
	[tilespmem:$0x1C980] =	vst v63  }
0x50: {  	_ =	swait.ge [sflag:s18], $0x2800  }
0x51: {  	[sflag:s18] =	ssyncset.done $0x0  }
0x52: {  	s14 =	simm.s32 $0x180;
	s11 =	sadd.s32 $0x14, s16;
	[sflag:s18] =	ssyncadd.s32 $0xFFFFD800  }
0x53: {  	[tilespmem:s23], [sflag:$0x4] =	stream.linear.gather [hbm4b:s16+s4], $0x50, $0x38;
	[tilespmem:$0x1C980] =	vst v63  }
0x54: {  	s10 =	simm.s32 $0x400;
	s12 =	sadd.s32 $0xA0, s17;
	s13 =	simm.s32 $0x1A8  }
0x55: {  	[tilespmem:s25], [sflag:$0x2] =	stream.indirect.gather [hbm4b:s1+s20], $0x80, s14, s20, $0xb8;
	[tilespmem:$0x1C980] =	vst v63  }
.LBB2_2:
0x56: {  	[tilespmem:s28], [sflag:$0x2] =	stream.indirect.gather [hbm4b:s1+s20], $0x80, s13, s20, $0xb8;
	[tilespmem:$0x1C980] =	vst v63  }
0x57: {  	s13 =	smov.u32 s10  }
0x58: {  	p1 =	sne.s32 s10, $0xF000;
	s10 =	sadd.s32 $0x400, s10;
	_ =	swait.ge [sflag:s29], $0x1400  }
0x59: {  	[sflag:s29] =	ssyncset.done $0x0  }
0x5a: {  	[sflag:s29] =	ssyncadd.s32 $0xFFFFEC00  }
0x5b: {  	_ =	swait.ge [sflag:s29], $0x1400  }
0x5c: {  	[sflag:s29] =	ssyncset.done $0x0  }
0x5d: {  	[sflag:s29] =	ssyncadd.s32 $0xFFFFEC00  }
0x5e: {  	_ =	swait.ge [sflag:s30], $0x50  }
0x5f: {  	[sflag:s30] =	ssyncset.done $0x0  }
0x60: {  	[sflag:s30] =	ssyncadd.s32 $0xFFFFFFB0  }
0x61: {  	[spmem:s3] =	stream.indirect.scatter.add.f32 [tilespmem:s21], [sflag:$0x5], $0x80, s19, s31, $0xb8;
	[tilespmem:$0x1C980] =	vst v63  }
0x62: {  	_ =	swait.ge [sflag:s18], $0x2800  }
0x63: {  	s14 =	sshrl.u32 s12, $0x3;
	[sflag:s18] =	ssyncset.done $0x0  }
0x64: {  	s14 =	sadd.s32 s5, s14;
	s13 =	sshra.s32 s13, $0x2;
	[sflag:s18] =	ssyncadd.s32 $0xFFFFD800  }
0x65: {  	[tilespmem:s19], [sflag:$0x3] =	stream.linear.gather [hbm4b:s14+s4], $0x50, $0x38;
	[tilespmem:$0x1C980] =	vst v63  }
0x66: {  	s14 =	sadd.s32 $0x100, s13  }
0x67: {  	[tilespmem:s21], [sflag:$0x1] =	stream.indirect.gather [hbm4b:s1+s20], $0x80, s14, s20, $0xb8;
	[tilespmem:$0x1C980] =	vst v63  }
0x68: {  	s14 =	sadd.s32 $0x128, s13  }
0x69: {  	[tilespmem:s22], [sflag:$0x1] =	stream.indirect.gather [hbm4b:s1+s20], $0x80, s14, s20, $0xb8;
	[tilespmem:$0x1C980] =	vst v63  }
0x6a: {  	_ =	swait.ge [sflag:s0], $0x1400  }
0x6b: {  	[sflag:s0] =	ssyncset.done $0x0  }
0x6c: {  	[sflag:s0] =	ssyncadd.s32 $0xFFFFEC00  }
0x6d: {  	_ =	swait.ge [sflag:s0], $0x1400  }
0x6e: {  	[sflag:s0] =	ssyncset.done $0x0  }
0x6f: {  	[sflag:s0] =	ssyncadd.s32 $0xFFFFEC00  }
0x70: {  	_ =	swait.ge [sflag:s2], $0x50  }
0x71: {  	[sflag:s2] =	ssyncset.done $0x0  }
0x72: {  	[sflag:s2] =	ssyncadd.s32 $0xFFFFFFB0  }
0x73: {  	[spmem:s3] =	stream.indirect.scatter.add.f32 [tilespmem:s25], [sflag:$0x5], $0x80, s23, s31, $0xb8;
	[tilespmem:$0x1C980] =	vst v63  }
0x74: {  	_ =	swait.ge [sflag:s18], $0x2800  }
0x75: {  	[sflag:s18] =	ssyncset.done $0x0  }
.Ltmp0:
0x76: {  	[sflag:s18] =	ssyncadd.s32 $0xFFFFD800;
	(pc) =	sbr.rel @p1 .LBB2_2-.Ltmp0, $4  }
0x77: {  	[tilespmem:s23], [sflag:$0x4] =	stream.linear.gather [hbm4b:s11+s4], $0x50, $0x38;
	[tilespmem:$0x1C980] =	vst v63  }
0x78: {  	s14 =	sadd.s32 $0x180, s13  }
0x79: {  	[tilespmem:s25], [sflag:$0x2] =	stream.indirect.gather [hbm4b:s1+s20], $0x80, s14, s20, $0xb8;
	[tilespmem:$0x1C980] =	vst v63  }
0x7a: {  	s12 =	sadd.s32 $0xA0, s12;
	s13 =	sadd.s32 $0x1A8, s13;
	s11 =	sadd.s32 $0x14, s11  }
0x7b: {  	[tilespmem:s28], [sflag:$0x2] =	stream.indirect.gather [hbm4b:s1+s20], $0x80, s13, s20, $0xb8;
	[tilespmem:$0x1C980] =	vst v63  }
0x7c: {  	_ =	swait.ge [sflag:s29], $0x1400  }
0x7d: {  	[sflag:s29] =	ssyncset.done $0x0  }
0x7e: {  	[sflag:s29] =	ssyncadd.s32 $0xFFFFEC00  }
0x7f: {  	_ =	swait.ge [sflag:s29], $0x1400  }
0x80: {  	[sflag:s29] =	ssyncset.done $0x0  }
0x81: {  	[sflag:s29] =	ssyncadd.s32 $0xFFFFEC00  }
0x82: {  	_ =	swait.ge [sflag:s30], $0x50  }
0x83: {  	[sflag:s30] =	ssyncset.done $0x0  }
0x84: {  	[sflag:s30] =	ssyncadd.s32 $0xFFFFFFB0  }
0x85: {  	[spmem:s3] =	stream.indirect.scatter.add.f32 [tilespmem:s21], [sflag:$0x5], $0x80, s19, s31, $0xb8;
	[tilespmem:$0x1C980] =	vst v63  }
0x86: {  	_ =	swait.ge [sflag:s18], $0x2800  }
0x87: {  	[sflag:s18] =	ssyncset.done $0x0  }
0x88: {  	[sflag:s18] =	ssyncadd.s32 $0xFFFFD800  }
0x89: {  	[tilespmem:s19], [sflag:$0x3] =	stream.linear.gather [hbm4b:s15+s4], $0x50, $0x38;
	[tilespmem:$0x1C980] =	vst v63  }
0x8a: {  	s10 =	simm.s32 $0x3E00  }
0x8b: {  	[tilespmem:s21], [sflag:$0x1] =	stream.indirect.gather [hbm4b:s1+s20], $0x80, s10, s20, $0xb8;
	[tilespmem:$0x1C980] =	vst v63  }
0x8c: {  	s13 =	simm.s32 $0x3E28  }
0x8d: {  	[tilespmem:s22], [sflag:$0x1] =	stream.indirect.gather [hbm4b:s1+s20], $0x80, s13, s20, $0xb8;
	[tilespmem:$0x1C980] =	vst v63  }
0x8e: {  	_ =	swait.ge [sflag:s0], $0x1400  }
0x8f: {  	[sflag:s0] =	ssyncset.done $0x0  }
0x90: {  	[sflag:s0] =	ssyncadd.s32 $0xFFFFEC00  }
0x91: {  	_ =	swait.ge [sflag:s0], $0x1400  }
0x92: {  	[sflag:s0] =	ssyncset.done $0x0  }
0x93: {  	[sflag:s0] =	ssyncadd.s32 $0xFFFFEC00  }
0x94: {  	_ =	swait.ge [sflag:s2], $0x50  }
0x95: {  	[sflag:s2] =	ssyncset.done $0x0  }
0x96: {  	[sflag:s2] =	ssyncadd.s32 $0xFFFFFFB0  }
0x97: {  	[spmem:s3] =	stream.indirect.scatter.add.f32 [tilespmem:s25], [sflag:$0x5], $0x80, s23, s31, $0xb8;
	[tilespmem:$0x1C980] =	vst v63  }
0x98: {  	_ =	swait.ge [sflag:s18], $0x2800  }
0x99: {  	[sflag:s18] =	ssyncset.done $0x0  }
0x9a: {  	[sflag:s18] =	ssyncadd.s32 $0xFFFFD800  }
0x9b: {  	[tilespmem:s23], [sflag:$0x4] =	stream.linear.gather [hbm4b:s8+s4], $0x50, $0x38;
	[tilespmem:$0x1C980] =	vst v63  }
0x9c: {  	_ = 	snop  }
0x9d: {  	[tilespmem:s25], [sflag:$0x2] =	stream.indirect.gather [hbm4b:s1+s20], $0x80, s4, s20, $0xb8;
	[tilespmem:$0x1C980] =	vst v63  }
0x9e: {  	_ = 	snop  }
0x9f: {  	[tilespmem:s28], [sflag:$0x2] =	stream.indirect.gather [hbm4b:s1+s20], $0x80, s20, s20, $0xb8;
	[tilespmem:$0x1C980] =	vst v63  }
0xa0: {  	_ =	swait.ge [sflag:s29], $0x1400  }
0xa1: {  	[sflag:s29] =	ssyncset.done $0x0  }
0xa2: {  	[sflag:s29] =	ssyncadd.s32 $0xFFFFEC00  }
0xa3: {  	_ =	swait.ge [sflag:s29], $0x1400  }
0xa4: {  	[sflag:s29] =	ssyncset.done $0x0  }
0xa5: {  	[sflag:s29] =	ssyncadd.s32 $0xFFFFEC00  }
0xa6: {  	_ =	swait.ge [sflag:s30], $0x50  }
0xa7: {  	[sflag:s30] =	ssyncset.done $0x0  }
0xa8: {  	[sflag:s30] =	ssyncadd.s32 $0xFFFFFFB0  }
0xa9: {  	[spmem:s3] =	stream.indirect.scatter.add.f32 [tilespmem:s21], [sflag:$0x5], $0x80, s19, s31, $0xb8;
	[tilespmem:$0x1C980] =	vst v63  }
0xaa: {  	_ =	swait.ge [sflag:s18], $0x2800  }
0xab: {  	[sflag:s18] =	ssyncset.done $0x0  }
0xac: {  	[sflag:s18] =	ssyncadd.s32 $0xFFFFD800  }
0xad: {  	_ =	swait.ge [sflag:s0], $0x1400  }
0xae: {  	[sflag:s0] =	ssyncset.done $0x0  }
0xaf: {  	[sflag:s0] =	ssyncadd.s32 $0xFFFFEC00  }
0xb0: {  	_ =	swait.ge [sflag:s0], $0x1400  }
0xb1: {  	[sflag:s0] =	ssyncset.done $0x0  }
0xb2: {  	[sflag:s0] =	ssyncadd.s32 $0xFFFFEC00  }
0xb3: {  	_ =	swait.ge [sflag:s2], $0x50  }
0xb4: {  	[sflag:s2] =	ssyncset.done $0x0  }
0xb5: {  	[sflag:s2] =	ssyncadd.s32 $0xFFFFFFB0  }
0xb6: {  	[bflag:$0x0] =	sbarrier.arrive $0xFFFF  }
0xb7: {  	s14 =	rddreg [dreg:$0x9]  }
0xb8: {  	[hbm:s14], [sflag:s26] =	dma.local [spmem:s7], $0x2700  }
0xb9: {  	_ =	swait.ge [sflag:s18], $0x2700  }
0xba: {  	[sflag:s18] =	ssyncset.done $0x0  }
0xbb: {  	s7 =	rddreg [dreg:$0xa];
	[sflag:s18] =	ssyncadd.s32 $0xFFFFD900  }
0xbc: {  	[hbm:s7], [sflag:s26] =	dma.local @!p0 [spmem:s9], $0x100  }
0xbd: {  	s7 =	simm.s32 @!p0 $0x5  }
0xbe: {  	_ =	swait.ge @!p0 [sflag:s7], $0x100  }
0xbf: {  	s24 =	sadd.s32 $0x1, s24;
	s26 =	rddreg [dreg:$0xb]  }
0xc0: {  	p1 =	sne.s32 s24, s26  }
.Ltmp1:
0xc1: {  	_ = 	snop;
	(pc) =	sbr.rel @p1 .LBB2_1-.Ltmp1, $3  }
0xc2: {  	_ =	sdelay $0x1  }
0xc3: {  	[sflag:s7] =	ssyncset.done @!p0 $0x0  }
0xc4: {  	[sflag:s7] =	ssyncadd.s32 @!p0 $0xFFFFFF00  }
0xc5: {  	_ =	sfence.sel $0x180000  }
0xc6: {  	[bflag:$0x0] =	sbarrier.arrive $0xFFFF  }
0xc7: {  	_ =	strace $0x90000047  }
0xc8: {  	s0 =	stileid.u32;
	[bflag:$0x2] =	sbarrier.arrive $0xFFFF  }
0xc9: {  	p0 =	sne.s32 s0, $0x0;
	s0 =	rddreg [dreg:$0x4]  }
0xca: {  	s0 =	sadd.s32 @!p0 $0x100000, s0  }
0xcb: {  	[sflag:s0] =	ssyncadd.tile.s32 @!p0 $0x1;
	_ =	shalt  }
.Lfunc_end2:
_tile_overlayer_lowered:
.L_overlay_start_2:
0xcc: {  	(tag) =	ssettag $0x2  }
0xcd: {  	s0 =	rddreg [dreg:$0x0];
	s2 =	stileid.u32  }
0xce: {  	s1 =	rddreg [dreg:$0x1];
	p0 =	sne.s32 s2, $0x0  }
0xcf: {  	s3 =	rddreg [dreg:$0x2];
	[bflag:$0x3] =	sbarrier.arrive $0xFFFF;
	s2 =	simm.s32 @!p0 $0x1C05  }
0xd0: {  	[timem:s3], [sflag:s2] =	dma.local @!p0 [hbm:s0], s1  }
0xd1: {  	s0 =	simm.s32 @!p0 $0x5  }
0xd2: {  	_ =	swait.ge @!p0 [sflag:s0], s1  }
0xd3: {  	s1 =	ssub.s32 @!p0 $0x0, s1;
	[sflag:s0] =	ssyncset.done @!p0 $0x0  }
0xd4: {  	[sflag:s0] =	ssyncadd.s32 @!p0 s1  }
0xd5: {  	[bflag:$0x3] =	sbarrier.arrive $0xFFFF  }
0xd6: {  	_ =	shalt  }

</sc_bundles>
